<compile_context>
chip_gen: v7x
topology: tpu7x:2x2x1
jax: 0.10.2.dev20260603
libtpu: 0.0.44.dev20260713+nightly
codegen_flags: <defaults>
</compile_context>

<pallas_src>
import functools

import jax
import jax.numpy as jnp
from jax import lax
from jax.experimental import pallas as pl
from jax.experimental.pallas import tpu as pltpu
from jax.experimental.pallas import tpu_sc as plsc

EPSV = 1e-5
CHUNK = 80


def _make_sc_kernels(N, H, E, NC, NS):
    NW = NC * NS
    EPW = E // NW
    NCH = EPW // CHUNK
    BIG = ((N + NS - 1) // NS + 7) // 8 * 8
    NFULL = N // BIG
    REM = N - NFULL * BIG
    mesh = plsc.VectorSubcoreMesh(core_axis_name="c", subcore_axis_name="s")

    def _dist_rows(s, copy_fn):
        @pl.when(s < NFULL)
        def _():
            copy_fn(pl.multiple_of(s * BIG, 8), BIG)

        if REM:
            @pl.when(s == NFULL)
            def _():
                copy_fn(NFULL * BIG, REM)

    @functools.partial(
        pl.kernel,
        out_type=jax.ShapeDtypeStruct((NC, N), jnp.float32),
        mesh=mesh,
        scratch_types=[
            pltpu.VMEM((NCH, CHUNK), jnp.int32),
            pltpu.VMEM((CHUNK,), jnp.float32),
            pltpu.VMEM_SHARED((N,), jnp.float32),
        ],
    )
    def deg_kernel(dst_hbm, zeros_hbm, out_hbm, dst_v, ones_v, shared_deg):
        c = lax.axis_index("c")
        s = lax.axis_index("s")
        wid = c * NS + s
        pltpu.sync_copy(dst_hbm.at[wid], dst_v)
        for k in range(CHUNK // 16):
            ones_v[pl.ds(k * 16, 16)] = jnp.ones((16,), jnp.float32)

        @pl.when(s == 0)
        def _():
            pltpu.sync_copy(zeros_hbm, shared_deg)

        plsc.subcore_barrier()

        def body(j, carry):
            pltpu.sync_copy(ones_v, shared_deg.at[dst_v.at[j]], add=True)
            return carry

        lax.fori_loop(0, NCH, body, 0)
        plsc.subcore_barrier()

        @pl.when(s == 0)
        def _():
            pltpu.sync_copy(shared_deg, out_hbm.at[c])

    @functools.partial(
        pl.kernel,
        out_type=jax.ShapeDtypeStruct((NC, N, H), jnp.float32),
        mesh=mesh,
        scratch_types=[
            pltpu.VMEM((NCH, CHUNK), jnp.int32),
            pltpu.VMEM((NCH, CHUNK), jnp.int32),
            pltpu.VMEM((CHUNK, H), jnp.float32),
            pltpu.VMEM_SHARED((N, H), jnp.float32),
            pltpu.SemaphoreType.DMA,
        ],
    )
    def agg_kernel(y_hbm, src_hbm, dst_hbm, zeros_hbm, out_hbm,
                   src_v, dst_v, rows, acc, sem):
        c = lax.axis_index("c")
        s = lax.axis_index("s")
        wid = c * NS + s
        pltpu.sync_copy(src_hbm.at[wid], src_v)
        pltpu.sync_copy(dst_hbm.at[wid], dst_v)

        def _zero(off, size):
            pltpu.sync_copy(zeros_hbm.at[pl.ds(off, size)],
                            acc.at[pl.ds(off, size)])

        _dist_rows(s, _zero)
        plsc.subcore_barrier()

        def body(j, carry):
            pltpu.async_copy(y_hbm.at[src_v.at[j]], rows, sem).wait()
            pltpu.sync_copy(rows, acc.at[dst_v.at[j]], add=True)
            return carry

        lax.fori_loop(0, NCH, body, 0)
        plsc.subcore_barrier()

        def _writeout(off, size):
            pltpu.sync_copy(acc.at[pl.ds(off, size)],
                            out_hbm.at[c, pl.ds(off, size)])

        _dist_rows(s, _writeout)

    return deg_kernel, agg_kernel


def _bn_relu(v, g, b):
    mu = jnp.mean(v, axis=0, keepdims=True)
    var = jnp.mean(v * v, axis=0, keepdims=True) - mu * mu
    return jnp.maximum(g * (v - mu) * lax.rsqrt(var + EPSV) + b, 0.0)


def _dinv_of(degt):
    deg = degt[:, 0:1] + degt[:, 1:2] + 1.0
    return lax.rsqrt(deg)


def _pre_body(x_ref, degt_ref, g0, b0, W, y_ref):
    dinv = _dinv_of(degt_ref[...])
    h = _bn_relu(x_ref[...], g0[...], b0[...])
    y_ref[...] = jnp.dot(h, W[...], preferred_element_type=jnp.float32) * dinv


def _post_body(res_ref, y_ref, p0, p1, degt, bconv, g1, b1, W1, bias1,
               g2, b2, g0n, b0n, Wn, xn_ref, yn_ref):
    dinv = _dinv_of(degt[...])
    out = dinv * (p0[...] + p1[...] + y_ref[...]) + bconv[...]
    h = _bn_relu(out, g1[...], b1[...])
    z = jnp.dot(h, W1[...], preferred_element_type=jnp.float32) + bias1[...]
    xn = _bn_relu(z, g2[...], b2[...]) + res_ref[...]
    xn_ref[...] = xn
    h0 = _bn_relu(xn, g0n[...], b0n[...])
    yn_ref[...] = jnp.dot(h0, Wn[...], preferred_element_type=jnp.float32) * dinv


def _last_body(res_ref, y_ref, p0, p1, degt, bconv, g1, b1, W1, bias1,
               g2, b2, xn_ref):
    dinv = _dinv_of(degt[...])
    out = dinv * (p0[...] + p1[...] + y_ref[...]) + bconv[...]
    h = _bn_relu(out, g1[...], b1[...])
    z = jnp.dot(h, W1[...], preferred_element_type=jnp.float32) + bias1[...]
    xn_ref[...] = _bn_relu(z, g2[...], b2[...]) + res_ref[...]


def kernel(x, params, edge_index):
    N, H = x.shape
    E = edge_index.shape[1]
    info = plsc.get_sparse_core_info()
    NC, NS = info.num_cores, info.num_subcores
    NW = NC * NS
    EPW = E // NW
    NCH = EPW // CHUNK

    deg_kernel, agg_kernel = _make_sc_kernels(N, H, E, NC, NS)

    src3 = edge_index[0].reshape(NW, NCH, CHUNK)
    dst3 = edge_index[1].reshape(NW, NCH, CHUNK)
    zeros_n = jnp.zeros((N,), jnp.float32)
    zeros_nh = jnp.zeros((N, H), jnp.float32)

    degp = deg_kernel(dst3, zeros_n)
    degt = degp.T

    f32 = jnp.float32
    nh = jax.ShapeDtypeStruct((N, H), f32)

    def r1(v):
        return v.reshape(1, H)

    L0 = params[0]
    y = pl.pallas_call(_pre_body, out_shape=nh)(
        x, degt, r1(L0['bn0_g']), r1(L0['bn0_b']), L0['W'])

    xcur = x
    nlayers = len(params)
    for l in range(nlayers):
        p = agg_kernel(y, src3, dst3, zeros_nh)
        Ll = params[l]
        if l + 1 < nlayers:
            Ln = params[l + 1]
            xcur, y = pl.pallas_call(_post_body, out_shape=(nh, nh))(
                xcur, y, p[0], p[1], degt,
                r1(Ll['b']), r1(Ll['bn1_g']), r1(Ll['bn1_b']),
                Ll['W1'], r1(Ll['b1']), r1(Ll['bn2_g']), r1(Ll['bn2_b']),
                r1(Ln['bn0_g']), r1(Ln['bn0_b']), Ln['W'])
        else:
            xcur = pl.pallas_call(_last_body, out_shape=nh)(
                xcur, y, p[0], p[1], degt,
                r1(Ll['b']), r1(Ll['bn1_g']), r1(Ll['bn1_b']),
                Ll['W1'], r1(Ll['b1']), r1(Ll['bn2_g']), r1(Ll['bn2_b']))
    return xcur

# --- scband reference (transcript-rebuilt; emitter-appended) ---
"""Pipeline reference for scband-block-41798621724823 (READ-ONLY COPY).

The authoritative reference and input builder live on the scoring server;
editing this copy changes nothing except your own understanding.
"""

import jax, jax.numpy as jnp
import numpy as np

HIDDEN = 128
NUM_LAYERS = 3
N_NODES = 10000
N_EDGES = 320000
EPS = 1e-5


def batchnorm(x, gamma, beta):
    # BatchNorm1d in training mode: batch statistics (biased variance)
    mu = jnp.mean(x, axis=0)
    var = jnp.mean((x - mu) ** 2, axis=0)
    return gamma * (x - mu) / jnp.sqrt(var + EPS) + beta


def gcn_conv(x, W, b, edge_index, num_nodes):
    # GCNConv: add self loops, symmetric normalization, message = norm * (xW)[src], scatter-add to dst
    src = edge_index[0]
    dst = edge_index[1]
    loop = jnp.arange(num_nodes, dtype=src.dtype)
    src = jnp.concatenate([src, loop])
    dst = jnp.concatenate([dst, loop])
    deg = jnp.zeros((num_nodes,), dtype=x.dtype).at[dst].add(1.0)
    dinv = jnp.where(deg > 0, deg ** -0.5, 0.0)
    norm = dinv[src] * dinv[dst]
    xw = x @ W
    msg = xw[src] * norm[:, None]
    out = jnp.zeros((num_nodes, xw.shape[1]), dtype=x.dtype).at[dst].add(msg)
    return out + b


def setup_inputs(seed: int = 0):
    key = jax.random.key(seed)
    kx, ke, kp = jax.random.split(key, 3)
    x = jax.random.normal(kx, (N_NODES, HIDDEN), dtype=jnp.float32)
    edge_index = jax.random.randint(ke, (2, N_EDGES), 0, N_NODES, dtype=jnp.int32)
    params = []
    scale = 1.0 / np.sqrt(HIDDEN)
    for l in range(NUM_LAYERS):
        k1, k2, kp = jax.random.split(kp, 3)
        layer = {
            'bn0_g': jnp.ones((HIDDEN,), jnp.float32),
            'bn0_b': jnp.zeros((HIDDEN,), jnp.float32),
            'W': jax.random.normal(k1, (HIDDEN, HIDDEN), jnp.float32) * scale,
            'b': jnp.zeros((HIDDEN,), jnp.float32),
            'bn1_g': jnp.ones((HIDDEN,), jnp.float32),
            'bn1_b': jnp.zeros((HIDDEN,), jnp.float32),
            'W1': jax.random.normal(k2, (HIDDEN, HIDDEN), jnp.float32) * scale,
            'b1': jnp.zeros((HIDDEN,), jnp.float32),
            'bn2_g': jnp.ones((HIDDEN,), jnp.float32),
            'bn2_b': jnp.zeros((HIDDEN,), jnp.float32),
        }
        params.append(layer)
    return {'x': x, 'params': params, 'edge_index': edge_index}


def reference(x, params, edge_index):
    for layer in params:
        res = x
        x = jax.nn.relu(batchnorm(x, layer['bn0_g'], layer['bn0_b']))
        x = gcn_conv(x, layer['W'], layer['b'], edge_index, x.shape[0])
        # MLP(hidden, hidden, hidden)[:-1] => BN, ReLU, Dropout(0), Linear, BN, ReLU, Dropout(0)
        x = jax.nn.relu(batchnorm(x, layer['bn1_g'], layer['bn1_b']))
        x = x @ layer['W1'] + layer['b1']
        x = jax.nn.relu(batchnorm(x, layer['bn2_g'], layer['bn2_b']))
        x = x + res
    return x

if __name__ == "__main__":
    import jax
    _d = setup_inputs()
    print(jax.jit(kernel)(*tuple(_d.values())))

</pallas_src>

<mosaic_0001>
#map = affine_map<(d0, d1) -> (0, 0, 0)>
#map1 = affine_map<(d0, d1) -> (0)>
#map2 = affine_map<(d0, d1) -> (0, 0)>
module attributes {stable_mosaic.version = 14 : i64} {
  func.func @deg_kernel(%arg0: i32, %arg1: i32, %arg2: memref<32x125x80xi32, #tpu.memory_space<hbm>>, %arg3: memref<10000xf32, #tpu.memory_space<hbm>>, %arg4: memref<2x10000xf32, #tpu.memory_space<hbm>>, %arg5: memref<125x80xi32, #tpu.memory_space<vmem>>, %arg6: memref<80xf32, #tpu.memory_space<vmem>>, %arg7: memref<10000xf32, #tpu.memory_space<vmem_shared>>) attributes {dimension_semantics = [#tpu.dimension_semantics<core_parallel>, #tpu.dimension_semantics<subcore_parallel>], iteration_bounds = array<i64: 2, 16>, scalar_prefetch = 0 : i64, scratch_operands = 3 : i64, tpu.core_type = #tpu.core_type<sc_vector_subcore>, window_params = [{transform_indices = #map}, {transform_indices = #map1}, {transform_indices = #map2}]} {
    %mul3A = arith.constant 16 : i32
    %mul3A_0 = arith.muli %arg0, %mul3A : i32
    %add3A = arith.addi %mul3A_0, %arg1 : i32
    "tpu.region"() ({
      %run_scoped3A = tpu.sem_alloc : memref<!tpu.dma_semaphore, #tpu.memory_space<semaphore_mem>>
      %dma_start3A = arith.constant 0 : i32
      %dma_start3A_42 = arith.constant 0 : i32
      %dma_start3A_43 = tpu.memref_slice %arg2[%add3A, %dma_start3A, %dma_start3A_42] : memref<32x125x80xi32, #tpu.memory_space<hbm>> -> memref<1x125x80xi32, #tpu.memory_space<hbm>>
      %dma_start3A_44 = tpu.memref_squeeze %dma_start3A_43 : memref<1x125x80xi32, #tpu.memory_space<hbm>> -> memref<125x80xi32, #tpu.memory_space<hbm>>
      %dma_start3A_45 = arith.constant 0 : i32
      %dma_start3A_46 = arith.constant 0 : i32
      %dma_start3A_47 = tpu.memref_slice %arg2[%add3A, %dma_start3A_45, %dma_start3A_46] : memref<32x125x80xi32, #tpu.memory_space<hbm>> -> memref<1x125x80xi32, #tpu.memory_space<hbm>>
      %dma_start3A_48 = tpu.memref_squeeze %dma_start3A_47 : memref<1x125x80xi32, #tpu.memory_space<hbm>> -> memref<125x80xi32, #tpu.memory_space<hbm>>
      tpu.enqueue_dma source(%dma_start3A_48 : memref<125x80xi32, #tpu.memory_space<hbm>>) target(%arg5 : memref<125x80xi32, #tpu.memory_space<vmem>>) target_semaphore(%run_scoped3A : memref<!tpu.dma_semaphore, #tpu.memory_space<semaphore_mem>>)
      %dma_wait3A = arith.constant 0 : i32
      %dma_wait3A_49 = arith.constant 0 : i32
      %dma_wait3A_50 = tpu.memref_slice %arg2[%add3A, %dma_wait3A, %dma_wait3A_49] : memref<32x125x80xi32, #tpu.memory_space<hbm>> -> memref<1x125x80xi32, #tpu.memory_space<hbm>>
      %dma_wait3A_51 = tpu.memref_squeeze %dma_wait3A_50 : memref<1x125x80xi32, #tpu.memory_space<hbm>> -> memref<125x80xi32, #tpu.memory_space<hbm>>
      %dma_wait3A_52 = arith.constant 0 : i32
      %dma_wait3A_53 = arith.constant 0 : i32
      %dma_wait3A_54 = tpu.memref_slice %arg2[%add3A, %dma_wait3A_52, %dma_wait3A_53] : memref<32x125x80xi32, #tpu.memory_space<hbm>> -> memref<1x125x80xi32, #tpu.memory_space<hbm>>
      %dma_wait3A_55 = tpu.memref_squeeze %dma_wait3A_54 : memref<1x125x80xi32, #tpu.memory_space<hbm>> -> memref<125x80xi32, #tpu.memory_space<hbm>>
      tpu.wait_dma2 semaphore(%run_scoped3A : memref<!tpu.dma_semaphore, #tpu.memory_space<semaphore_mem>>) src(%dma_wait3A_55 : memref<125x80xi32, #tpu.memory_space<hbm>>) dst(%arg5 : memref<125x80xi32, #tpu.memory_space<vmem>>)
      tpu.yield
    }) : () -> ()
    %broadcast_in_dim3A = arith.constant 1.000000e+00 : f32
    %broadcast_in_dim3A_1 = vector.broadcast %broadcast_in_dim3A : f32 to vector<16xf32>
    %swap3A = arith.constant 0 : index
    %swap3A_2 = tpu.vector_load %arg6[%swap3A] {strides = array<i32>} : memref<80xf32, #tpu.memory_space<vmem>>, vector<16xf32>,
    %swap3A_3 = vector.shape_cast %swap3A_2 : vector<16xf32> to vector<16xf32>
    %swap3A_4 = vector.shape_cast %broadcast_in_dim3A_1 : vector<16xf32> to vector<16xf32>
    tpu.vector_store %arg6[%swap3A], %swap3A_4 {strides = array<i32>} : memref<80xf32, #tpu.memory_space<vmem>>, vector<16xf32>,
    %broadcast_in_dim3A_5 = arith.constant 1.000000e+00 : f32
    %broadcast_in_dim3A_6 = vector.broadcast %broadcast_in_dim3A_5 : f32 to vector<16xf32>
    %swap3A_7 = arith.constant 16 : index
    %swap3A_8 = tpu.vector_load %arg6[%swap3A_7] {strides = array<i32>} : memref<80xf32, #tpu.memory_space<vmem>>, vector<16xf32>,
    %swap3A_9 = vector.shape_cast %swap3A_8 : vector<16xf32> to vector<16xf32>
    %swap3A_10 = vector.shape_cast %broadcast_in_dim3A_6 : vector<16xf32> to vector<16xf32>
    tpu.vector_store %arg6[%swap3A_7], %swap3A_10 {strides = array<i32>} : memref<80xf32, #tpu.memory_space<vmem>>, vector<16xf32>,
    %broadcast_in_dim3A_11 = arith.constant 1.000000e+00 : f32
    %broadcast_in_dim3A_12 = vector.broadcast %broadcast_in_dim3A_11 : f32 to vector<16xf32>
    %swap3A_13 = arith.constant 32 : index
    %swap3A_14 = tpu.vector_load %arg6[%swap3A_13] {strides = array<i32>} : memref<80xf32, #tpu.memory_space<vmem>>, vector<16xf32>,
    %swap3A_15 = vector.shape_cast %swap3A_14 : vector<16xf32> to vector<16xf32>
    %swap3A_16 = vector.shape_cast %broadcast_in_dim3A_12 : vector<16xf32> to vector<16xf32>
    tpu.vector_store %arg6[%swap3A_13], %swap3A_16 {strides = array<i32>} : memref<80xf32, #tpu.memory_space<vmem>>, vector<16xf32>,
    %broadcast_in_dim3A_17 = arith.constant 1.000000e+00 : f32
    %broadcast_in_dim3A_18 = vector.broadcast %broadcast_in_dim3A_17 : f32 to vector<16xf32>
    %swap3A_19 = arith.constant 48 : index
    %swap3A_20 = tpu.vector_load %arg6[%swap3A_19] {strides = array<i32>} : memref<80xf32, #tpu.memory_space<vmem>>, vector<16xf32>,
    %swap3A_21 = vector.shape_cast %swap3A_20 : vector<16xf32> to vector<16xf32>
    %swap3A_22 = vector.shape_cast %broadcast_in_dim3A_18 : vector<16xf32> to vector<16xf32>
    tpu.vector_store %arg6[%swap3A_19], %swap3A_22 {strides = array<i32>} : memref<80xf32, #tpu.memory_space<vmem>>, vector<16xf32>,
    %broadcast_in_dim3A_23 = arith.constant 1.000000e+00 : f32
    %broadcast_in_dim3A_24 = vector.broadcast %broadcast_in_dim3A_23 : f32 to vector<16xf32>
    %swap3A_25 = arith.constant 64 : index
    %swap3A_26 = tpu.vector_load %arg6[%swap3A_25] {strides = array<i32>} : memref<80xf32, #tpu.memory_space<vmem>>, vector<16xf32>,
    %swap3A_27 = vector.shape_cast %swap3A_26 : vector<16xf32> to vector<16xf32>
    %swap3A_28 = vector.shape_cast %broadcast_in_dim3A_24 : vector<16xf32> to vector<16xf32>
    tpu.vector_store %arg6[%swap3A_25], %swap3A_28 {strides = array<i32>} : memref<80xf32, #tpu.memory_space<vmem>>, vector<16xf32>,
    %eq3A = arith.constant 0 : i32
    %eq3A_29 = arith.cmpi eq, %arg1, %eq3A : i32
    %convert_element_type3A = arith.extui %eq3A_29 : i1 to i32
    %cond3A = arith.constant 0 : i32
    %cond3A_30 = arith.cmpi ne, %convert_element_type3A, %cond3A : i32
    scf.if %cond3A_30 {
      "tpu.region"() ({
        %run_scoped3A = tpu.sem_alloc : memref<!tpu.dma_semaphore, #tpu.memory_space<semaphore_mem>>
        tpu.enqueue_dma source(%arg3 : memref<10000xf32, #tpu.memory_space<hbm>>) target(%arg7 : memref<10000xf32, #tpu.memory_space<vmem_shared>>) target_semaphore(%run_scoped3A : memref<!tpu.dma_semaphore, #tpu.memory_space<semaphore_mem>>)
        tpu.wait_dma2 semaphore(%run_scoped3A : memref<!tpu.dma_semaphore, #tpu.memory_space<semaphore_mem>>) src(%arg3 : memref<10000xf32, #tpu.memory_space<hbm>>) dst(%arg7 : memref<10000xf32, #tpu.memory_space<vmem_shared>>)
        tpu.yield
      }) : () -> ()
    } else {
    }
    %barrier3A = arith.constant 0 : index
    tpu.barrier barrier_id(%barrier3A)
    %scan3A = arith.constant 0 : i32
    %scan3A_31 = arith.constant 0 : i32
    %scan3A_32 = arith.constant 125 : i32
    %scan3A_33 = arith.addi %scan3A_31, %scan3A_32 : i32
    %scan3A_34 = arith.constant 1 : i32
    scf.for %scan3A_42 = %scan3A_31 to %scan3A_33 step %scan3A_34  : i32 {
      "tpu.region"() ({
        %run_scoped3A = tpu.sem_alloc : memref<!tpu.dma_semaphore, #tpu.memory_space<semaphore_mem>>
        %dma_start3A = arith.constant 0 : i32
        %dma_start3A_43 = tpu.memref_slice %arg5[%scan3A_42, %dma_start3A] : memref<125x80xi32, #tpu.memory_space<vmem>> -> memref<1x80xi32, #tpu.memory_space<vmem>>
        %dma_start3A_44 = tpu.memref_squeeze %dma_start3A_43 : memref<1x80xi32, #tpu.memory_space<vmem>> -> memref<80xi32, #tpu.memory_space<vmem>>
        %dma_start3A_45 = arith.constant 0 : i32
        %dma_start3A_46 = tpu.memref_slice %arg7[%dma_start3A_45] : memref<10000xf32, #tpu.memory_space<vmem_shared>> -> memref<10000xf32, #tpu.memory_space<vmem_shared>>
        tpu.enqueue_indirect_dma source(%arg6 : memref<80xf32, #tpu.memory_space<vmem>>) target(%dma_start3A_46 : memref<10000xf32, #tpu.memory_space<vmem_shared>>) offsets(%dma_start3A_44 : memref<80xi32, #tpu.memory_space<vmem>>) semaphore(%run_scoped3A : memref<!tpu.dma_semaphore, #tpu.memory_space<semaphore_mem>>) {add = true}
        %dma_wait3A = arith.constant 0 : i32
        %dma_wait3A_47 = tpu.memref_slice %arg5[%scan3A_42, %dma_wait3A] : memref<125x80xi32, #tpu.memory_space<vmem>> -> memref<1x80xi32, #tpu.memory_space<vmem>>
        %dma_wait3A_48 = tpu.memref_squeeze %dma_wait3A_47 : memref<1x80xi32, #tpu.memory_space<vmem>> -> memref<80xi32, #tpu.memory_space<vmem>>
        %dma_wait3A_49 = arith.constant 0 : i32
        %dma_wait3A_50 = tpu.memref_slice %arg7[%dma_wait3A_49] : memref<10000xf32, #tpu.memory_space<vmem_shared>> -> memref<10000xf32, #tpu.memory_space<vmem_shared>>
        tpu.wait_indirect_dma semaphore(%run_scoped3A : memref<!tpu.dma_semaphore, #tpu.memory_space<semaphore_mem>>) src(%arg6 : memref<80xf32, #tpu.memory_space<vmem>>) dst(%dma_wait3A_50 : memref<10000xf32, #tpu.memory_space<vmem_shared>>)
        tpu.yield
      }) : () -> ()
    }
    %scan3A_35 = arith.constant 125 : i32
    %barrier3A_36 = arith.constant 0 : index
    tpu.barrier barrier_id(%barrier3A_36)
    %eq3A_37 = arith.constant 0 : i32
    %eq3A_38 = arith.cmpi eq, %arg1, %eq3A_37 : i32
    %convert_element_type3A_39 = arith.extui %eq3A_38 : i1 to i32
    %cond3A_40 = arith.constant 0 : i32
    %cond3A_41 = arith.cmpi ne, %convert_element_type3A_39, %cond3A_40 : i32
    scf.if %cond3A_41 {
      "tpu.region"() ({
        %run_scoped3A = tpu.sem_alloc : memref<!tpu.dma_semaphore, #tpu.memory_space<semaphore_mem>>
        %dma_start3A = arith.constant 0 : i32
        %dma_start3A_42 = tpu.memref_slice %arg4[%arg0, %dma_start3A] : memref<2x10000xf32, #tpu.memory_space<hbm>> -> memref<1x10000xf32, #tpu.memory_space<hbm>>
        %dma_start3A_43 = tpu.memref_squeeze %dma_start3A_42 : memref<1x10000xf32, #tpu.memory_space<hbm>> -> memref<10000xf32, #tpu.memory_space<hbm>>
        tpu.enqueue_dma source(%arg7 : memref<10000xf32, #tpu.memory_space<vmem_shared>>) target(%dma_start3A_43 : memref<10000xf32, #tpu.memory_space<hbm>>) target_semaphore(%run_scoped3A : memref<!tpu.dma_semaphore, #tpu.memory_space<semaphore_mem>>)
        %dma_wait3A = arith.constant 0 : i32
        %dma_wait3A_44 = tpu.memref_slice %arg4[%arg0, %dma_wait3A] : memref<2x10000xf32, #tpu.memory_space<hbm>> -> memref<1x10000xf32, #tpu.memory_space<hbm>>
        %dma_wait3A_45 = tpu.memref_squeeze %dma_wait3A_44 : memref<1x10000xf32, #tpu.memory_space<hbm>> -> memref<10000xf32, #tpu.memory_space<hbm>>
        tpu.wait_dma2 semaphore(%run_scoped3A : memref<!tpu.dma_semaphore, #tpu.memory_space<semaphore_mem>>) src(%arg7 : memref<10000xf32, #tpu.memory_space<vmem_shared>>) dst(%dma_wait3A_45 : memref<10000xf32, #tpu.memory_space<hbm>>)
        tpu.yield
      }) : () -> ()
    } else {
    }
    return
  }
}

#map = affine_map<(d0, d1) -> (0, 0)>
#map1 = affine_map<(d0, d1) -> (0, 0, 0)>
module attributes {stable_mosaic.version = 14 : i64} {
  func.func @agg_kernel(%arg0: i32, %arg1: i32, %arg2: memref<10000x128xf32, #tpu.memory_space<hbm>>, %arg3: memref<32x125x80xi32, #tpu.memory_space<hbm>>, %arg4: memref<32x125x80xi32, #tpu.memory_space<hbm>>, %arg5: memref<10000x128xf32, #tpu.memory_space<hbm>>, %arg6: memref<2x10000x128xf32, #tpu.memory_space<hbm>>, %arg7: memref<125x80xi32, #tpu.memory_space<vmem>>, %arg8: memref<125x80xi32, #tpu.memory_space<vmem>>, %arg9: memref<80x128xf32, #tpu.memory_space<vmem>>, %arg10: memref<10000x128xf32, #tpu.memory_space<vmem_shared>>, %arg11: memref<!tpu.dma_semaphore, #tpu.memory_space<semaphore_mem>>) attributes {dimension_semantics = [#tpu.dimension_semantics<core_parallel>, #tpu.dimension_semantics<subcore_parallel>], iteration_bounds = array<i64: 2, 16>, scalar_prefetch = 0 : i64, scratch_operands = 5 : i64, tpu.core_type = #tpu.core_type<sc_vector_subcore>, window_params = [{transform_indices = #map}, {transform_indices = #map1}, {transform_indices = #map1}, {transform_indices = #map}, {transform_indices = #map1}]} {
    %mul3A = arith.constant 16 : i32
    %mul3A_0 = arith.muli %arg0, %mul3A : i32
    %add3A = arith.addi %mul3A_0, %arg1 : i32
    "tpu.region"() ({
      %run_scoped3A = tpu.sem_alloc : memref<!tpu.dma_semaphore, #tpu.memory_space<semaphore_mem>>
      %dma_start3A = arith.constant 0 : i32
      %dma_start3A_23 = arith.constant 0 : i32
      %dma_start3A_24 = tpu.memref_slice %arg3[%add3A, %dma_start3A, %dma_start3A_23] : memref<32x125x80xi32, #tpu.memory_space<hbm>> -> memref<1x125x80xi32, #tpu.memory_space<hbm>>
      %dma_start3A_25 = tpu.memref_squeeze %dma_start3A_24 : memref<1x125x80xi32, #tpu.memory_space<hbm>> -> memref<125x80xi32, #tpu.memory_space<hbm>>
      %dma_start3A_26 = arith.constant 0 : i32
      %dma_start3A_27 = arith.constant 0 : i32
      %dma_start3A_28 = tpu.memref_slice %arg3[%add3A, %dma_start3A_26, %dma_start3A_27] : memref<32x125x80xi32, #tpu.memory_space<hbm>> -> memref<1x125x80xi32, #tpu.memory_space<hbm>>
      %dma_start3A_29 = tpu.memref_squeeze %dma_start3A_28 : memref<1x125x80xi32, #tpu.memory_space<hbm>> -> memref<125x80xi32, #tpu.memory_space<hbm>>
      tpu.enqueue_dma source(%dma_start3A_29 : memref<125x80xi32, #tpu.memory_space<hbm>>) target(%arg7 : memref<125x80xi32, #tpu.memory_space<vmem>>) target_semaphore(%run_scoped3A : memref<!tpu.dma_semaphore, #tpu.memory_space<semaphore_mem>>)
      %dma_wait3A = arith.constant 0 : i32
      %dma_wait3A_30 = arith.constant 0 : i32
      %dma_wait3A_31 = tpu.memref_slice %arg3[%add3A, %dma_wait3A, %dma_wait3A_30] : memref<32x125x80xi32, #tpu.memory_space<hbm>> -> memref<1x125x80xi32, #tpu.memory_space<hbm>>
      %dma_wait3A_32 = tpu.memref_squeeze %dma_wait3A_31 : memref<1x125x80xi32, #tpu.memory_space<hbm>> -> memref<125x80xi32, #tpu.memory_space<hbm>>
      %dma_wait3A_33 = arith.constant 0 : i32
      %dma_wait3A_34 = arith.constant 0 : i32
      %dma_wait3A_35 = tpu.memref_slice %arg3[%add3A, %dma_wait3A_33, %dma_wait3A_34] : memref<32x125x80xi32, #tpu.memory_space<hbm>> -> memref<1x125x80xi32, #tpu.memory_space<hbm>>
      %dma_wait3A_36 = tpu.memref_squeeze %dma_wait3A_35 : memref<1x125x80xi32, #tpu.memory_space<hbm>> -> memref<125x80xi32, #tpu.memory_space<hbm>>
      tpu.wait_dma2 semaphore(%run_scoped3A : memref<!tpu.dma_semaphore, #tpu.memory_space<semaphore_mem>>) src(%dma_wait3A_36 : memref<125x80xi32, #tpu.memory_space<hbm>>) dst(%arg7 : memref<125x80xi32, #tpu.memory_space<vmem>>)
      tpu.yield
    }) : () -> ()
    "tpu.region"() ({
      %run_scoped3A = tpu.sem_alloc : memref<!tpu.dma_semaphore, #tpu.memory_space<semaphore_mem>>
      %dma_start3A = arith.constant 0 : i32
      %dma_start3A_23 = arith.constant 0 : i32
      %dma_start3A_24 = tpu.memref_slice %arg4[%add3A, %dma_start3A, %dma_start3A_23] : memref<32x125x80xi32, #tpu.memory_space<hbm>> -> memref<1x125x80xi32, #tpu.memory_space<hbm>>
      %dma_start3A_25 = tpu.memref_squeeze %dma_start3A_24 : memref<1x125x80xi32, #tpu.memory_space<hbm>> -> memref<125x80xi32, #tpu.memory_space<hbm>>
      %dma_start3A_26 = arith.constant 0 : i32
      %dma_start3A_27 = arith.constant 0 : i32
      %dma_start3A_28 = tpu.memref_slice %arg4[%add3A, %dma_start3A_26, %dma_start3A_27] : memref<32x125x80xi32, #tpu.memory_space<hbm>> -> memref<1x125x80xi32, #tpu.memory_space<hbm>>
      %dma_start3A_29 = tpu.memref_squeeze %dma_start3A_28 : memref<1x125x80xi32, #tpu.memory_space<hbm>> -> memref<125x80xi32, #tpu.memory_space<hbm>>
      tpu.enqueue_dma source(%dma_start3A_29 : memref<125x80xi32, #tpu.memory_space<hbm>>) target(%arg8 : memref<125x80xi32, #tpu.memory_space<vmem>>) target_semaphore(%run_scoped3A : memref<!tpu.dma_semaphore, #tpu.memory_space<semaphore_mem>>)
      %dma_wait3A = arith.constant 0 : i32
      %dma_wait3A_30 = arith.constant 0 : i32
      %dma_wait3A_31 = tpu.memref_slice %arg4[%add3A, %dma_wait3A, %dma_wait3A_30] : memref<32x125x80xi32, #tpu.memory_space<hbm>> -> memref<1x125x80xi32, #tpu.memory_space<hbm>>
      %dma_wait3A_32 = tpu.memref_squeeze %dma_wait3A_31 : memref<1x125x80xi32, #tpu.memory_space<hbm>> -> memref<125x80xi32, #tpu.memory_space<hbm>>
      %dma_wait3A_33 = arith.constant 0 : i32
      %dma_wait3A_34 = arith.constant 0 : i32
      %dma_wait3A_35 = tpu.memref_slice %arg4[%add3A, %dma_wait3A_33, %dma_wait3A_34] : memref<32x125x80xi32, #tpu.memory_space<hbm>> -> memref<1x125x80xi32, #tpu.memory_space<hbm>>
      %dma_wait3A_36 = tpu.memref_squeeze %dma_wait3A_35 : memref<1x125x80xi32, #tpu.memory_space<hbm>> -> memref<125x80xi32, #tpu.memory_space<hbm>>
      tpu.wait_dma2 semaphore(%run_scoped3A : memref<!tpu.dma_semaphore, #tpu.memory_space<semaphore_mem>>) src(%dma_wait3A_36 : memref<125x80xi32, #tpu.memory_space<hbm>>) dst(%arg8 : memref<125x80xi32, #tpu.memory_space<vmem>>)
      tpu.yield
    }) : () -> ()
    %lt3A = arith.constant 15 : i32
    %lt3A_1 = arith.cmpi slt, %arg1, %lt3A : i32
    %convert_element_type3A = arith.extui %lt3A_1 : i1 to i32
    %cond3A = arith.constant 0 : i32
    %cond3A_2 = arith.cmpi ne, %convert_element_type3A, %cond3A : i32
    scf.if %cond3A_2 {
      %mul3A_23 = arith.constant 632 : i32
      %mul3A_24 = arith.muli %arg1, %mul3A_23 : i32
      %multiple_of3A = tpu.assume_multiple %mul3A_24, 8 : i32
      "tpu.region"() ({
        %run_scoped3A = tpu.sem_alloc : memref<!tpu.dma_semaphore, #tpu.memory_space<semaphore_mem>>
        %dma_start3A = arith.constant 0 : i32
        %dma_start3A_25 = tpu.memref_slice %arg10[%multiple_of3A, %dma_start3A] : memref<10000x128xf32, #tpu.memory_space<vmem_shared>> -> memref<632x128xf32, #tpu.memory_space<vmem_shared>>
        %dma_start3A_26 = arith.constant 0 : i32
        %dma_start3A_27 = tpu.memref_slice %arg5[%multiple_of3A, %dma_start3A_26] : memref<10000x128xf32, #tpu.memory_space<hbm>> -> memref<632x128xf32, #tpu.memory_space<hbm>>
        tpu.enqueue_dma source(%dma_start3A_27 : memref<632x128xf32, #tpu.memory_space<hbm>>) target(%dma_start3A_25 : memref<632x128xf32, #tpu.memory_space<vmem_shared>>) target_semaphore(%run_scoped3A : memref<!tpu.dma_semaphore, #tpu.memory_space<semaphore_mem>>)
        %dma_wait3A = arith.constant 0 : i32
        %dma_wait3A_28 = tpu.memref_slice %arg10[%multiple_of3A, %dma_wait3A] : memref<10000x128xf32, #tpu.memory_space<vmem_shared>> -> memref<632x128xf32, #tpu.memory_space<vmem_shared>>
        %dma_wait3A_29 = arith.constant 0 : i32
        %dma_wait3A_30 = tpu.memref_slice %arg5[%multiple_of3A, %dma_wait3A_29] : memref<10000x128xf32, #tpu.memory_space<hbm>> -> memref<632x128xf32, #tpu.memory_space<hbm>>
        tpu.wait_dma2 semaphore(%run_scoped3A : memref<!tpu.dma_semaphore, #tpu.memory_space<semaphore_mem>>) src(%dma_wait3A_30 : memref<632x128xf32, #tpu.memory_space<hbm>>) dst(%dma_wait3A_28 : memref<632x128xf32, #tpu.memory_space<vmem_shared>>)
        tpu.yield
      }) : () -> ()
    } else {
    }
    %eq3A = arith.constant 15 : i32
    %eq3A_3 = arith.cmpi eq, %arg1, %eq3A : i32
    %convert_element_type3A_4 = arith.extui %eq3A_3 : i1 to i32
    %cond3A_5 = arith.constant 0 : i32
    %cond3A_6 = arith.cmpi ne, %convert_element_type3A_4, %cond3A_5 : i32
    scf.if %cond3A_6 {
      "tpu.region"() ({
        %run_scoped3A = tpu.sem_alloc : memref<!tpu.dma_semaphore, #tpu.memory_space<semaphore_mem>>
        %dma_start3A = arith.constant 9480 : i32
        %dma_start3A_23 = arith.constant 0 : i32
        %dma_start3A_24 = tpu.memref_slice %arg10[%dma_start3A, %dma_start3A_23] : memref<10000x128xf32, #tpu.memory_space<vmem_shared>> -> memref<520x128xf32, #tpu.memory_space<vmem_shared>>
        %dma_start3A_25 = arith.constant 9480 : i32
        %dma_start3A_26 = arith.constant 0 : i32
        %dma_start3A_27 = tpu.memref_slice %arg5[%dma_start3A_25, %dma_start3A_26] : memref<10000x128xf32, #tpu.memory_space<hbm>> -> memref<520x128xf32, #tpu.memory_space<hbm>>
        tpu.enqueue_dma source(%dma_start3A_27 : memref<520x128xf32, #tpu.memory_space<hbm>>) target(%dma_start3A_24 : memref<520x128xf32, #tpu.memory_space<vmem_shared>>) target_semaphore(%run_scoped3A : memref<!tpu.dma_semaphore, #tpu.memory_space<semaphore_mem>>)
        %dma_wait3A = arith.constant 9480 : i32
        %dma_wait3A_28 = arith.constant 0 : i32
        %dma_wait3A_29 = tpu.memref_slice %arg10[%dma_wait3A, %dma_wait3A_28] : memref<10000x128xf32, #tpu.memory_space<vmem_shared>> -> memref<520x128xf32, #tpu.memory_space<vmem_shared>>
        %dma_wait3A_30 = arith.constant 9480 : i32
        %dma_wait3A_31 = arith.constant 0 : i32
        %dma_wait3A_32 = tpu.memref_slice %arg5[%dma_wait3A_30, %dma_wait3A_31] : memref<10000x128xf32, #tpu.memory_space<hbm>> -> memref<520x128xf32, #tpu.memory_space<hbm>>
        tpu.wait_dma2 semaphore(%run_scoped3A : memref<!tpu.dma_semaphore, #tpu.memory_space<semaphore_mem>>) src(%dma_wait3A_32 : memref<520x128xf32, #tpu.memory_space<hbm>>) dst(%dma_wait3A_29 : memref<520x128xf32, #tpu.memory_space<vmem_shared>>)
        tpu.yield
      }) : () -> ()
    } else {
    }
    %barrier3A = arith.constant 0 : index
    tpu.barrier barrier_id(%barrier3A)
    %scan3A = arith.constant 0 : i32
    %scan3A_7 = arith.constant 0 : i32
    %scan3A_8 = arith.constant 125 : i32
    %scan3A_9 = arith.addi %scan3A_7, %scan3A_8 : i32
    %scan3A_10 = arith.constant 1 : i32
    scf.for %scan3A_23 = %scan3A_7 to %scan3A_9 step %scan3A_10  : i32 {
      %dma_start3A = arith.constant 0 : i32
      %dma_start3A_24 = tpu.memref_slice %arg7[%scan3A_23, %dma_start3A] : memref<125x80xi32, #tpu.memory_space<vmem>> -> memref<1x80xi32, #tpu.memory_space<vmem>>
      %dma_start3A_25 = tpu.memref_squeeze %dma_start3A_24 : memref<1x80xi32, #tpu.memory_space<vmem>> -> memref<80xi32, #tpu.memory_space<vmem>>
      %dma_start3A_26 = arith.constant 0 : i32
      %dma_start3A_27 = arith.constant 0 : i32
      %dma_start3A_28 = tpu.memref_slice %arg2[%dma_start3A_26, %dma_start3A_27] : memref<10000x128xf32, #tpu.memory_space<hbm>> -> memref<10000x128xf32, #tpu.memory_space<hbm>>
      tpu.enqueue_indirect_dma source(%dma_start3A_28 : memref<10000x128xf32, #tpu.memory_space<hbm>>) target(%arg9 : memref<80x128xf32, #tpu.memory_space<vmem>>) offsets(%dma_start3A_25 : memref<80xi32, #tpu.memory_space<vmem>>) semaphore(%arg11 : memref<!tpu.dma_semaphore, #tpu.memory_space<semaphore_mem>>)
      %dma_wait3A = arith.constant 0 : i32
      %dma_wait3A_29 = tpu.memref_slice %arg7[%scan3A_23, %dma_wait3A] : memref<125x80xi32, #tpu.memory_space<vmem>> -> memref<1x80xi32, #tpu.memory_space<vmem>>
      %dma_wait3A_30 = tpu.memref_squeeze %dma_wait3A_29 : memref<1x80xi32, #tpu.memory_space<vmem>> -> memref<80xi32, #tpu.memory_space<vmem>>
      %dma_wait3A_31 = arith.constant 0 : i32
      %dma_wait3A_32 = arith.constant 0 : i32
      %dma_wait3A_33 = tpu.memref_slice %arg2[%dma_wait3A_31, %dma_wait3A_32] : memref<10000x128xf32, #tpu.memory_space<hbm>> -> memref<10000x128xf32, #tpu.memory_space<hbm>>
      tpu.wait_indirect_dma semaphore(%arg11 : memref<!tpu.dma_semaphore, #tpu.memory_space<semaphore_mem>>) src(%dma_wait3A_33 : memref<10000x128xf32, #tpu.memory_space<hbm>>) dst(%arg9 : memref<80x128xf32, #tpu.memory_space<vmem>>)
      "tpu.region"() ({
        %run_scoped3A = tpu.sem_alloc : memref<!tpu.dma_semaphore, #tpu.memory_space<semaphore_mem>>
        %dma_start3A_34 = arith.constant 0 : i32
        %dma_start3A_35 = tpu.memref_slice %arg8[%scan3A_23, %dma_start3A_34] : memref<125x80xi32, #tpu.memory_space<vmem>> -> memref<1x80xi32, #tpu.memory_space<vmem>>
        %dma_start3A_36 = tpu.memref_squeeze %dma_start3A_35 : memref<1x80xi32, #tpu.memory_space<vmem>> -> memref<80xi32, #tpu.memory_space<vmem>>
        %dma_start3A_37 = arith.constant 0 : i32
        %dma_start3A_38 = arith.constant 0 : i32
        %dma_start3A_39 = tpu.memref_slice %arg10[%dma_start3A_37, %dma_start3A_38] : memref<10000x128xf32, #tpu.memory_space<vmem_shared>> -> memref<10000x128xf32, #tpu.memory_space<vmem_shared>>
        tpu.enqueue_indirect_dma source(%arg9 : memref<80x128xf32, #tpu.memory_space<vmem>>) target(%dma_start3A_39 : memref<10000x128xf32, #tpu.memory_space<vmem_shared>>) offsets(%dma_start3A_36 : memref<80xi32, #tpu.memory_space<vmem>>) semaphore(%run_scoped3A : memref<!tpu.dma_semaphore, #tpu.memory_space<semaphore_mem>>) {add = true}
        %dma_wait3A_40 = arith.constant 0 : i32
        %dma_wait3A_41 = tpu.memref_slice %arg8[%scan3A_23, %dma_wait3A_40] : memref<125x80xi32, #tpu.memory_space<vmem>> -> memref<1x80xi32, #tpu.memory_space<vmem>>
        %dma_wait3A_42 = tpu.memref_squeeze %dma_wait3A_41 : memref<1x80xi32, #tpu.memory_space<vmem>> -> memref<80xi32, #tpu.memory_space<vmem>>
        %dma_wait3A_43 = arith.constant 0 : i32
        %dma_wait3A_44 = arith.constant 0 : i32
        %dma_wait3A_45 = tpu.memref_slice %arg10[%dma_wait3A_43, %dma_wait3A_44] : memref<10000x128xf32, #tpu.memory_space<vmem_shared>> -> memref<10000x128xf32, #tpu.memory_space<vmem_shared>>
        tpu.wait_indirect_dma semaphore(%run_scoped3A : memref<!tpu.dma_semaphore, #tpu.memory_space<semaphore_mem>>) src(%arg9 : memref<80x128xf32, #tpu.memory_space<vmem>>) dst(%dma_wait3A_45 : memref<10000x128xf32, #tpu.memory_space<vmem_shared>>)
        tpu.yield
      }) : () -> ()
    }
    %scan3A_11 = arith.constant 125 : i32
    %barrier3A_12 = arith.constant 0 : index
    tpu.barrier barrier_id(%barrier3A_12)
    %lt3A_13 = arith.constant 15 : i32
    %lt3A_14 = arith.cmpi slt, %arg1, %lt3A_13 : i32
    %convert_element_type3A_15 = arith.extui %lt3A_14 : i1 to i32
    %cond3A_16 = arith.constant 0 : i32
    %cond3A_17 = arith.cmpi ne, %convert_element_type3A_15, %cond3A_16 : i32
    scf.if %cond3A_17 {
      %mul3A_23 = arith.constant 632 : i32
      %mul3A_24 = arith.muli %arg1, %mul3A_23 : i32
      %multiple_of3A = tpu.assume_multiple %mul3A_24, 8 : i32
      "tpu.region"() ({
        %run_scoped3A = tpu.sem_alloc : memref<!tpu.dma_semaphore, #tpu.memory_space<semaphore_mem>>
        %dma_start3A = arith.constant 0 : i32
        %dma_start3A_25 = tpu.memref_slice %arg6[%arg0, %multiple_of3A, %dma_start3A] : memref<2x10000x128xf32, #tpu.memory_space<hbm>> -> memref<1x632x128xf32, #tpu.memory_space<hbm>>
        %dma_start3A_26 = tpu.memref_squeeze %dma_start3A_25 : memref<1x632x128xf32, #tpu.memory_space<hbm>> -> memref<632x128xf32, #tpu.memory_space<hbm>>
        %dma_start3A_27 = arith.constant 0 : i32
        %dma_start3A_28 = tpu.memref_slice %arg10[%multiple_of3A, %dma_start3A_27] : memref<10000x128xf32, #tpu.memory_space<vmem_shared>> -> memref<632x128xf32, #tpu.memory_space<vmem_shared>>
        tpu.enqueue_dma source(%dma_start3A_28 : memref<632x128xf32, #tpu.memory_space<vmem_shared>>) target(%dma_start3A_26 : memref<632x128xf32, #tpu.memory_space<hbm>>) target_semaphore(%run_scoped3A : memref<!tpu.dma_semaphore, #tpu.memory_space<semaphore_mem>>)
        %dma_wait3A = arith.constant 0 : i32
        %dma_wait3A_29 = tpu.memref_slice %arg6[%arg0, %multiple_of3A, %dma_wait3A] : memref<2x10000x128xf32, #tpu.memory_space<hbm>> -> memref<1x632x128xf32, #tpu.memory_space<hbm>>
        %dma_wait3A_30 = tpu.memref_squeeze %dma_wait3A_29 : memref<1x632x128xf32, #tpu.memory_space<hbm>> -> memref<632x128xf32, #tpu.memory_space<hbm>>
        %dma_wait3A_31 = arith.constant 0 : i32
        %dma_wait3A_32 = tpu.memref_slice %arg10[%multiple_of3A, %dma_wait3A_31] : memref<10000x128xf32, #tpu.memory_space<vmem_shared>> -> memref<632x128xf32, #tpu.memory_space<vmem_shared>>
        tpu.wait_dma2 semaphore(%run_scoped3A : memref<!tpu.dma_semaphore, #tpu.memory_space<semaphore_mem>>) src(%dma_wait3A_32 : memref<632x128xf32, #tpu.memory_space<vmem_shared>>) dst(%dma_wait3A_30 : memref<632x128xf32, #tpu.memory_space<hbm>>)
        tpu.yield
      }) : () -> ()
    } else {
    }
    %eq3A_18 = arith.constant 15 : i32
    %eq3A_19 = arith.cmpi eq, %arg1, %eq3A_18 : i32
    %convert_element_type3A_20 = arith.extui %eq3A_19 : i1 to i32
    %cond3A_21 = arith.constant 0 : i32
    %cond3A_22 = arith.cmpi ne, %convert_element_type3A_20, %cond3A_21 : i32
    scf.if %cond3A_22 {
      "tpu.region"() ({
        %run_scoped3A = tpu.sem_alloc : memref<!tpu.dma_semaphore, #tpu.memory_space<semaphore_mem>>
        %dma_start3A = arith.constant 9480 : i32
        %dma_start3A_23 = arith.constant 0 : i32
        %dma_start3A_24 = tpu.memref_slice %arg6[%arg0, %dma_start3A, %dma_start3A_23] : memref<2x10000x128xf32, #tpu.memory_space<hbm>> -> memref<1x520x128xf32, #tpu.memory_space<hbm>>
        %dma_start3A_25 = tpu.memref_squeeze %dma_start3A_24 : memref<1x520x128xf32, #tpu.memory_space<hbm>> -> memref<520x128xf32, #tpu.memory_space<hbm>>
        %dma_start3A_26 = arith.constant 9480 : i32
        %dma_start3A_27 = arith.constant 0 : i32
        %dma_start3A_28 = tpu.memref_slice %arg10[%dma_start3A_26, %dma_start3A_27] : memref<10000x128xf32, #tpu.memory_space<vmem_shared>> -> memref<520x128xf32, #tpu.memory_space<vmem_shared>>
        tpu.enqueue_dma source(%dma_start3A_28 : memref<520x128xf32, #tpu.memory_space<vmem_shared>>) target(%dma_start3A_25 : memref<520x128xf32, #tpu.memory_space<hbm>>) target_semaphore(%run_scoped3A : memref<!tpu.dma_semaphore, #tpu.memory_space<semaphore_mem>>)
        %dma_wait3A = arith.constant 9480 : i32
        %dma_wait3A_29 = arith.constant 0 : i32
        %dma_wait3A_30 = tpu.memref_slice %arg6[%arg0, %dma_wait3A, %dma_wait3A_29] : memref<2x10000x128xf32, #tpu.memory_space<hbm>> -> memref<1x520x128xf32, #tpu.memory_space<hbm>>
        %dma_wait3A_31 = tpu.memref_squeeze %dma_wait3A_30 : memref<1x520x128xf32, #tpu.memory_space<hbm>> -> memref<520x128xf32, #tpu.memory_space<hbm>>
        %dma_wait3A_32 = arith.constant 9480 : i32
        %dma_wait3A_33 = arith.constant 0 : i32
        %dma_wait3A_34 = tpu.memref_slice %arg10[%dma_wait3A_32, %dma_wait3A_33] : memref<10000x128xf32, #tpu.memory_space<vmem_shared>> -> memref<520x128xf32, #tpu.memory_space<vmem_shared>>
        tpu.wait_dma2 semaphore(%run_scoped3A : memref<!tpu.dma_semaphore, #tpu.memory_space<semaphore_mem>>) src(%dma_wait3A_34 : memref<520x128xf32, #tpu.memory_space<vmem_shared>>) dst(%dma_wait3A_31 : memref<520x128xf32, #tpu.memory_space<hbm>>)
        tpu.yield
      }) : () -> ()
    } else {
    }
    return
  }
}

#map = affine_map<(d0, d1) -> (0, 0)>
#map1 = affine_map<(d0, d1) -> (0, 0, 0)>
module attributes {stable_mosaic.version = 14 : i64} {
  func.func @agg_kernel(%arg0: i32, %arg1: i32, %arg2: memref<10000x128xf32, #tpu.memory_space<hbm>>, %arg3: memref<32x125x80xi32, #tpu.memory_space<hbm>>, %arg4: memref<32x125x80xi32, #tpu.memory_space<hbm>>, %arg5: memref<10000x128xf32, #tpu.memory_space<hbm>>, %arg6: memref<2x10000x128xf32, #tpu.memory_space<hbm>>, %arg7: memref<125x80xi32, #tpu.memory_space<vmem>>, %arg8: memref<125x80xi32, #tpu.memory_space<vmem>>, %arg9: memref<80x128xf32, #tpu.memory_space<vmem>>, %arg10: memref<10000x128xf32, #tpu.memory_space<vmem_shared>>, %arg11: memref<!tpu.dma_semaphore, #tpu.memory_space<semaphore_mem>>) attributes {dimension_semantics = [#tpu.dimension_semantics<core_parallel>, #tpu.dimension_semantics<subcore_parallel>], iteration_bounds = array<i64: 2, 16>, scalar_prefetch = 0 : i64, scratch_operands = 5 : i64, tpu.core_type = #tpu.core_type<sc_vector_subcore>, window_params = [{transform_indices = #map}, {transform_indices = #map1}, {transform_indices = #map1}, {transform_indices = #map}, {transform_indices = #map1}]} {
    %mul3A = arith.constant 16 : i32
    %mul3A_0 = arith.muli %arg0, %mul3A : i32
    %add3A = arith.addi %mul3A_0, %arg1 : i32
    "tpu.region"() ({
      %run_scoped3A = tpu.sem_alloc : memref<!tpu.dma_semaphore, #tpu.memory_space<semaphore_mem>>
      %dma_start3A = arith.constant 0 : i32
      %dma_start3A_23 = arith.constant 0 : i32
      %dma_start3A_24 = tpu.memref_slice %arg3[%add3A, %dma_start3A, %dma_start3A_23] : memref<32x125x80xi32, #tpu.memory_space<hbm>> -> memref<1x125x80xi32, #tpu.memory_space<hbm>>
      %dma_start3A_25 = tpu.memref_squeeze %dma_start3A_24 : memref<1x125x80xi32, #tpu.memory_space<hbm>> -> memref<125x80xi32, #tpu.memory_space<hbm>>
      %dma_start3A_26 = arith.constant 0 : i32
      %dma_start3A_27 = arith.constant 0 : i32
      %dma_start3A_28 = tpu.memref_slice %arg3[%add3A, %dma_start3A_26, %dma_start3A_27] : memref<32x125x80xi32, #tpu.memory_space<hbm>> -> memref<1x125x80xi32, #tpu.memory_space<hbm>>
      %dma_start3A_29 = tpu.memref_squeeze %dma_start3A_28 : memref<1x125x80xi32, #tpu.memory_space<hbm>> -> memref<125x80xi32, #tpu.memory_space<hbm>>
      tpu.enqueue_dma source(%dma_start3A_29 : memref<125x80xi32, #tpu.memory_space<hbm>>) target(%arg7 : memref<125x80xi32, #tpu.memory_space<vmem>>) target_semaphore(%run_scoped3A : memref<!tpu.dma_semaphore, #tpu.memory_space<semaphore_mem>>)
      %dma_wait3A = arith.constant 0 : i32
      %dma_wait3A_30 = arith.constant 0 : i32
      %dma_wait3A_31 = tpu.memref_slice %arg3[%add3A, %dma_wait3A, %dma_wait3A_30] : memref<32x125x80xi32, #tpu.memory_space<hbm>> -> memref<1x125x80xi32, #tpu.memory_space<hbm>>
      %dma_wait3A_32 = tpu.memref_squeeze %dma_wait3A_31 : memref<1x125x80xi32, #tpu.memory_space<hbm>> -> memref<125x80xi32, #tpu.memory_space<hbm>>
      %dma_wait3A_33 = arith.constant 0 : i32
      %dma_wait3A_34 = arith.constant 0 : i32
      %dma_wait3A_35 = tpu.memref_slice %arg3[%add3A, %dma_wait3A_33, %dma_wait3A_34] : memref<32x125x80xi32, #tpu.memory_space<hbm>> -> memref<1x125x80xi32, #tpu.memory_space<hbm>>
      %dma_wait3A_36 = tpu.memref_squeeze %dma_wait3A_35 : memref<1x125x80xi32, #tpu.memory_space<hbm>> -> memref<125x80xi32, #tpu.memory_space<hbm>>
      tpu.wait_dma2 semaphore(%run_scoped3A : memref<!tpu.dma_semaphore, #tpu.memory_space<semaphore_mem>>) src(%dma_wait3A_36 : memref<125x80xi32, #tpu.memory_space<hbm>>) dst(%arg7 : memref<125x80xi32, #tpu.memory_space<vmem>>)
      tpu.yield
    }) : () -> ()
    "tpu.region"() ({
      %run_scoped3A = tpu.sem_alloc : memref<!tpu.dma_semaphore, #tpu.memory_space<semaphore_mem>>
      %dma_start3A = arith.constant 0 : i32
      %dma_start3A_23 = arith.constant 0 : i32
      %dma_start3A_24 = tpu.memref_slice %arg4[%add3A, %dma_start3A, %dma_start3A_23] : memref<32x125x80xi32, #tpu.memory_space<hbm>> -> memref<1x125x80xi32, #tpu.memory_space<hbm>>
      %dma_start3A_25 = tpu.memref_squeeze %dma_start3A_24 : memref<1x125x80xi32, #tpu.memory_space<hbm>> -> memref<125x80xi32, #tpu.memory_space<hbm>>
      %dma_start3A_26 = arith.constant 0 : i32
      %dma_start3A_27 = arith.constant 0 : i32
      %dma_start3A_28 = tpu.memref_slice %arg4[%add3A, %dma_start3A_26, %dma_start3A_27] : memref<32x125x80xi32, #tpu.memory_space<hbm>> -> memref<1x125x80xi32, #tpu.memory_space<hbm>>
      %dma_start3A_29 = tpu.memref_squeeze %dma_start3A_28 : memref<1x125x80xi32, #tpu.memory_space<hbm>> -> memref<125x80xi32, #tpu.memory_space<hbm>>
      tpu.enqueue_dma source(%dma_start3A_29 : memref<125x80xi32, #tpu.memory_space<hbm>>) target(%arg8 : memref<125x80xi32, #tpu.memory_space<vmem>>) target_semaphore(%run_scoped3A : memref<!tpu.dma_semaphore, #tpu.memory_space<semaphore_mem>>)
      %dma_wait3A = arith.constant 0 : i32
      %dma_wait3A_30 = arith.constant 0 : i32
      %dma_wait3A_31 = tpu.memref_slice %arg4[%add3A, %dma_wait3A, %dma_wait3A_30] : memref<32x125x80xi32, #tpu.memory_space<hbm>> -> memref<1x125x80xi32, #tpu.memory_space<hbm>>
      %dma_wait3A_32 = tpu.memref_squeeze %dma_wait3A_31 : memref<1x125x80xi32, #tpu.memory_space<hbm>> -> memref<125x80xi32, #tpu.memory_space<hbm>>
      %dma_wait3A_33 = arith.constant 0 : i32
      %dma_wait3A_34 = arith.constant 0 : i32
      %dma_wait3A_35 = tpu.memref_slice %arg4[%add3A, %dma_wait3A_33, %dma_wait3A_34] : memref<32x125x80xi32, #tpu.memory_space<hbm>> -> memref<1x125x80xi32, #tpu.memory_space<hbm>>
      %dma_wait3A_36 = tpu.memref_squeeze %dma_wait3A_35 : memref<1x125x80xi32, #tpu.memory_space<hbm>> -> memref<125x80xi32, #tpu.memory_space<hbm>>
      tpu.wait_dma2 semaphore(%run_scoped3A : memref<!tpu.dma_semaphore, #tpu.memory_space<semaphore_mem>>) src(%dma_wait3A_36 : memref<125x80xi32, #tpu.memory_space<hbm>>) dst(%arg8 : memref<125x80xi32, #tpu.memory_space<vmem>>)
      tpu.yield
    }) : () -> ()
    %lt3A = arith.constant 15 : i32
    %lt3A_1 = arith.cmpi slt, %arg1, %lt3A : i32
    %convert_element_type3A = arith.extui %lt3A_1 : i1 to i32
    %cond3A = arith.constant 0 : i32
    %cond3A_2 = arith.cmpi ne, %convert_element_type3A, %cond3A : i32
    scf.if %cond3A_2 {
      %mul3A_23 = arith.constant 632 : i32
      %mul3A_24 = arith.muli %arg1, %mul3A_23 : i32
      %multiple_of3A = tpu.assume_multiple %mul3A_24, 8 : i32
      "tpu.region"() ({
        %run_scoped3A = tpu.sem_alloc : memref<!tpu.dma_semaphore, #tpu.memory_space<semaphore_mem>>
        %dma_start3A = arith.constant 0 : i32
        %dma_start3A_25 = tpu.memref_slice %arg10[%multiple_of3A, %dma_start3A] : memref<10000x128xf32, #tpu.memory_space<vmem_shared>> -> memref<632x128xf32, #tpu.memory_space<vmem_shared>>
        %dma_start3A_26 = arith.constant 0 : i32
        %dma_start3A_27 = tpu.memref_slice %arg5[%multiple_of3A, %dma_start3A_26] : memref<10000x128xf32, #tpu.memory_space<hbm>> -> memref<632x128xf32, #tpu.memory_space<hbm>>
        tpu.enqueue_dma source(%dma_start3A_27 : memref<632x128xf32, #tpu.memory_space<hbm>>) target(%dma_start3A_25 : memref<632x128xf32, #tpu.memory_space<vmem_shared>>) target_semaphore(%run_scoped3A : memref<!tpu.dma_semaphore, #tpu.memory_space<semaphore_mem>>)
        %dma_wait3A = arith.constant 0 : i32
        %dma_wait3A_28 = tpu.memref_slice %arg10[%multiple_of3A, %dma_wait3A] : memref<10000x128xf32, #tpu.memory_space<vmem_shared>> -> memref<632x128xf32, #tpu.memory_space<vmem_shared>>
        %dma_wait3A_29 = arith.constant 0 : i32
        %dma_wait3A_30 = tpu.memref_slice %arg5[%multiple_of3A, %dma_wait3A_29] : memref<10000x128xf32, #tpu.memory_space<hbm>> -> memref<632x128xf32, #tpu.memory_space<hbm>>
        tpu.wait_dma2 semaphore(%run_scoped3A : memref<!tpu.dma_semaphore, #tpu.memory_space<semaphore_mem>>) src(%dma_wait3A_30 : memref<632x128xf32, #tpu.memory_space<hbm>>) dst(%dma_wait3A_28 : memref<632x128xf32, #tpu.memory_space<vmem_shared>>)
        tpu.yield
      }) : () -> ()
    } else {
    }
    %eq3A = arith.constant 15 : i32
    %eq3A_3 = arith.cmpi eq, %arg1, %eq3A : i32
    %convert_element_type3A_4 = arith.extui %eq3A_3 : i1 to i32
    %cond3A_5 = arith.constant 0 : i32
    %cond3A_6 = arith.cmpi ne, %convert_element_type3A_4, %cond3A_5 : i32
    scf.if %cond3A_6 {
      "tpu.region"() ({
        %run_scoped3A = tpu.sem_alloc : memref<!tpu.dma_semaphore, #tpu.memory_space<semaphore_mem>>
        %dma_start3A = arith.constant 9480 : i32
        %dma_start3A_23 = arith.constant 0 : i32
        %dma_start3A_24 = tpu.memref_slice %arg10[%dma_start3A, %dma_start3A_23] : memref<10000x128xf32, #tpu.memory_space<vmem_shared>> -> memref<520x128xf32, #tpu.memory_space<vmem_shared>>
        %dma_start3A_25 = arith.constant 9480 : i32
        %dma_start3A_26 = arith.constant 0 : i32
        %dma_start3A_27 = tpu.memref_slice %arg5[%dma_start3A_25, %dma_start3A_26] : memref<10000x128xf32, #tpu.memory_space<hbm>> -> memref<520x128xf32, #tpu.memory_space<hbm>>
        tpu.enqueue_dma source(%dma_start3A_27 : memref<520x128xf32, #tpu.memory_space<hbm>>) target(%dma_start3A_24 : memref<520x128xf32, #tpu.memory_space<vmem_shared>>) target_semaphore(%run_scoped3A : memref<!tpu.dma_semaphore, #tpu.memory_space<semaphore_mem>>)
        %dma_wait3A = arith.constant 9480 : i32
        %dma_wait3A_28 = arith.constant 0 : i32
        %dma_wait3A_29 = tpu.memref_slice %arg10[%dma_wait3A, %dma_wait3A_28] : memref<10000x128xf32, #tpu.memory_space<vmem_shared>> -> memref<520x128xf32, #tpu.memory_space<vmem_shared>>
        %dma_wait3A_30 = arith.constant 9480 : i32
        %dma_wait3A_31 = arith.constant 0 : i32
        %dma_wait3A_32 = tpu.memref_slice %arg5[%dma_wait3A_30, %dma_wait3A_31] : memref<10000x128xf32, #tpu.memory_space<hbm>> -> memref<520x128xf32, #tpu.memory_space<hbm>>
        tpu.wait_dma2 semaphore(%run_scoped3A : memref<!tpu.dma_semaphore, #tpu.memory_space<semaphore_mem>>) src(%dma_wait3A_32 : memref<520x128xf32, #tpu.memory_space<hbm>>) dst(%dma_wait3A_29 : memref<520x128xf32, #tpu.memory_space<vmem_shared>>)
        tpu.yield
      }) : () -> ()
    } else {
    }
    %barrier3A = arith.constant 0 : index
    tpu.barrier barrier_id(%barrier3A)
    %scan3A = arith.constant 0 : i32
    %scan3A_7 = arith.constant 0 : i32
    %scan3A_8 = arith.constant 125 : i32
    %scan3A_9 = arith.addi %scan3A_7, %scan3A_8 : i32
    %scan3A_10 = arith.constant 1 : i32
    scf.for %scan3A_23 = %scan3A_7 to %scan3A_9 step %scan3A_10  : i32 {
      %dma_start3A = arith.constant 0 : i32
      %dma_start3A_24 = tpu.memref_slice %arg7[%scan3A_23, %dma_start3A] : memref<125x80xi32, #tpu.memory_space<vmem>> -> memref<1x80xi32, #tpu.memory_space<vmem>>
      %dma_start3A_25 = tpu.memref_squeeze %dma_start3A_24 : memref<1x80xi32, #tpu.memory_space<vmem>> -> memref<80xi32, #tpu.memory_space<vmem>>
      %dma_start3A_26 = arith.constant 0 : i32
      %dma_start3A_27 = arith.constant 0 : i32
      %dma_start3A_28 = tpu.memref_slice %arg2[%dma_start3A_26, %dma_start3A_27] : memref<10000x128xf32, #tpu.memory_space<hbm>> -> memref<10000x128xf32, #tpu.memory_space<hbm>>
      tpu.enqueue_indirect_dma source(%dma_start3A_28 : memref<10000x128xf32, #tpu.memory_space<hbm>>) target(%arg9 : memref<80x128xf32, #tpu.memory_space<vmem>>) offsets(%dma_start3A_25 : memref<80xi32, #tpu.memory_space<vmem>>) semaphore(%arg11 : memref<!tpu.dma_semaphore, #tpu.memory_space<semaphore_mem>>)
      %dma_wait3A = arith.constant 0 : i32
      %dma_wait3A_29 = tpu.memref_slice %arg7[%scan3A_23, %dma_wait3A] : memref<125x80xi32, #tpu.memory_space<vmem>> -> memref<1x80xi32, #tpu.memory_space<vmem>>
      %dma_wait3A_30 = tpu.memref_squeeze %dma_wait3A_29 : memref<1x80xi32, #tpu.memory_space<vmem>> -> memref<80xi32, #tpu.memory_space<vmem>>
      %dma_wait3A_31 = arith.constant 0 : i32
      %dma_wait3A_32 = arith.constant 0 : i32
      %dma_wait3A_33 = tpu.memref_slice %arg2[%dma_wait3A_31, %dma_wait3A_32] : memref<10000x128xf32, #tpu.memory_space<hbm>> -> memref<10000x128xf32, #tpu.memory_space<hbm>>
      tpu.wait_indirect_dma semaphore(%arg11 : memref<!tpu.dma_semaphore, #tpu.memory_space<semaphore_mem>>) src(%dma_wait3A_33 : memref<10000x128xf32, #tpu.memory_space<hbm>>) dst(%arg9 : memref<80x128xf32, #tpu.memory_space<vmem>>)
      "tpu.region"() ({
        %run_scoped3A = tpu.sem_alloc : memref<!tpu.dma_semaphore, #tpu.memory_space<semaphore_mem>>
        %dma_start3A_34 = arith.constant 0 : i32
        %dma_start3A_35 = tpu.memref_slice %arg8[%scan3A_23, %dma_start3A_34] : memref<125x80xi32, #tpu.memory_space<vmem>> -> memref<1x80xi32, #tpu.memory_space<vmem>>
        %dma_start3A_36 = tpu.memref_squeeze %dma_start3A_35 : memref<1x80xi32, #tpu.memory_space<vmem>> -> memref<80xi32, #tpu.memory_space<vmem>>
        %dma_start3A_37 = arith.constant 0 : i32
        %dma_start3A_38 = arith.constant 0 : i32
        %dma_start3A_39 = tpu.memref_slice %arg10[%dma_start3A_37, %dma_start3A_38] : memref<10000x128xf32, #tpu.memory_space<vmem_shared>> -> memref<10000x128xf32, #tpu.memory_space<vmem_shared>>
        tpu.enqueue_indirect_dma source(%arg9 : memref<80x128xf32, #tpu.memory_space<vmem>>) target(%dma_start3A_39 : memref<10000x128xf32, #tpu.memory_space<vmem_shared>>) offsets(%dma_start3A_36 : memref<80xi32, #tpu.memory_space<vmem>>) semaphore(%run_scoped3A : memref<!tpu.dma_semaphore, #tpu.memory_space<semaphore_mem>>) {add = true}
        %dma_wait3A_40 = arith.constant 0 : i32
        %dma_wait3A_41 = tpu.memref_slice %arg8[%scan3A_23, %dma_wait3A_40] : memref<125x80xi32, #tpu.memory_space<vmem>> -> memref<1x80xi32, #tpu.memory_space<vmem>>
        %dma_wait3A_42 = tpu.memref_squeeze %dma_wait3A_41 : memref<1x80xi32, #tpu.memory_space<vmem>> -> memref<80xi32, #tpu.memory_space<vmem>>
        %dma_wait3A_43 = arith.constant 0 : i32
        %dma_wait3A_44 = arith.constant 0 : i32
        %dma_wait3A_45 = tpu.memref_slice %arg10[%dma_wait3A_43, %dma_wait3A_44] : memref<10000x128xf32, #tpu.memory_space<vmem_shared>> -> memref<10000x128xf32, #tpu.memory_space<vmem_shared>>
        tpu.wait_indirect_dma semaphore(%run_scoped3A : memref<!tpu.dma_semaphore, #tpu.memory_space<semaphore_mem>>) src(%arg9 : memref<80x128xf32, #tpu.memory_space<vmem>>) dst(%dma_wait3A_45 : memref<10000x128xf32, #tpu.memory_space<vmem_shared>>)
        tpu.yield
      }) : () -> ()
    }
    %scan3A_11 = arith.constant 125 : i32
    %barrier3A_12 = arith.constant 0 : index
    tpu.barrier barrier_id(%barrier3A_12)
    %lt3A_13 = arith.constant 15 : i32
    %lt3A_14 = arith.cmpi slt, %arg1, %lt3A_13 : i32
    %convert_element_type3A_15 = arith.extui %lt3A_14 : i1 to i32
    %cond3A_16 = arith.constant 0 : i32
    %cond3A_17 = arith.cmpi ne, %convert_element_type3A_15, %cond3A_16 : i32
    scf.if %cond3A_17 {
      %mul3A_23 = arith.constant 632 : i32
      %mul3A_24 = arith.muli %arg1, %mul3A_23 : i32
      %multiple_of3A = tpu.assume_multiple %mul3A_24, 8 : i32
      "tpu.region"() ({
        %run_scoped3A = tpu.sem_alloc : memref<!tpu.dma_semaphore, #tpu.memory_space<semaphore_mem>>
        %dma_start3A = arith.constant 0 : i32
        %dma_start3A_25 = tpu.memref_slice %arg6[%arg0, %multiple_of3A, %dma_start3A] : memref<2x10000x128xf32, #tpu.memory_space<hbm>> -> memref<1x632x128xf32, #tpu.memory_space<hbm>>
        %dma_start3A_26 = tpu.memref_squeeze %dma_start3A_25 : memref<1x632x128xf32, #tpu.memory_space<hbm>> -> memref<632x128xf32, #tpu.memory_space<hbm>>
        %dma_start3A_27 = arith.constant 0 : i32
        %dma_start3A_28 = tpu.memref_slice %arg10[%multiple_of3A, %dma_start3A_27] : memref<10000x128xf32, #tpu.memory_space<vmem_shared>> -> memref<632x128xf32, #tpu.memory_space<vmem_shared>>
        tpu.enqueue_dma source(%dma_start3A_28 : memref<632x128xf32, #tpu.memory_space<vmem_shared>>) target(%dma_start3A_26 : memref<632x128xf32, #tpu.memory_space<hbm>>) target_semaphore(%run_scoped3A : memref<!tpu.dma_semaphore, #tpu.memory_space<semaphore_mem>>)
        %dma_wait3A = arith.constant 0 : i32
        %dma_wait3A_29 = tpu.memref_slice %arg6[%arg0, %multiple_of3A, %dma_wait3A] : memref<2x10000x128xf32, #tpu.memory_space<hbm>> -> memref<1x632x128xf32, #tpu.memory_space<hbm>>
        %dma_wait3A_30 = tpu.memref_squeeze %dma_wait3A_29 : memref<1x632x128xf32, #tpu.memory_space<hbm>> -> memref<632x128xf32, #tpu.memory_space<hbm>>
        %dma_wait3A_31 = arith.constant 0 : i32
        %dma_wait3A_32 = tpu.memref_slice %arg10[%multiple_of3A, %dma_wait3A_31] : memref<10000x128xf32, #tpu.memory_space<vmem_shared>> -> memref<632x128xf32, #tpu.memory_space<vmem_shared>>
        tpu.wait_dma2 semaphore(%run_scoped3A : memref<!tpu.dma_semaphore, #tpu.memory_space<semaphore_mem>>) src(%dma_wait3A_32 : memref<632x128xf32, #tpu.memory_space<vmem_shared>>) dst(%dma_wait3A_30 : memref<632x128xf32, #tpu.memory_space<hbm>>)
        tpu.yield
      }) : () -> ()
    } else {
    }
    %eq3A_18 = arith.constant 15 : i32
    %eq3A_19 = arith.cmpi eq, %arg1, %eq3A_18 : i32
    %convert_element_type3A_20 = arith.extui %eq3A_19 : i1 to i32
    %cond3A_21 = arith.constant 0 : i32
    %cond3A_22 = arith.cmpi ne, %convert_element_type3A_20, %cond3A_21 : i32
    scf.if %cond3A_22 {
      "tpu.region"() ({
        %run_scoped3A = tpu.sem_alloc : memref<!tpu.dma_semaphore, #tpu.memory_space<semaphore_mem>>
        %dma_start3A = arith.constant 9480 : i32
        %dma_start3A_23 = arith.constant 0 : i32
        %dma_start3A_24 = tpu.memref_slice %arg6[%arg0, %dma_start3A, %dma_start3A_23] : memref<2x10000x128xf32, #tpu.memory_space<hbm>> -> memref<1x520x128xf32, #tpu.memory_space<hbm>>
        %dma_start3A_25 = tpu.memref_squeeze %dma_start3A_24 : memref<1x520x128xf32, #tpu.memory_space<hbm>> -> memref<520x128xf32, #tpu.memory_space<hbm>>
        %dma_start3A_26 = arith.constant 9480 : i32
        %dma_start3A_27 = arith.constant 0 : i32
        %dma_start3A_28 = tpu.memref_slice %arg10[%dma_start3A_26, %dma_start3A_27] : memref<10000x128xf32, #tpu.memory_space<vmem_shared>> -> memref<520x128xf32, #tpu.memory_space<vmem_shared>>
        tpu.enqueue_dma source(%dma_start3A_28 : memref<520x128xf32, #tpu.memory_space<vmem_shared>>) target(%dma_start3A_25 : memref<520x128xf32, #tpu.memory_space<hbm>>) target_semaphore(%run_scoped3A : memref<!tpu.dma_semaphore, #tpu.memory_space<semaphore_mem>>)
        %dma_wait3A = arith.constant 9480 : i32
        %dma_wait3A_29 = arith.constant 0 : i32
        %dma_wait3A_30 = tpu.memref_slice %arg6[%arg0, %dma_wait3A, %dma_wait3A_29] : memref<2x10000x128xf32, #tpu.memory_space<hbm>> -> memref<1x520x128xf32, #tpu.memory_space<hbm>>
        %dma_wait3A_31 = tpu.memref_squeeze %dma_wait3A_30 : memref<1x520x128xf32, #tpu.memory_space<hbm>> -> memref<520x128xf32, #tpu.memory_space<hbm>>
        %dma_wait3A_32 = arith.constant 9480 : i32
        %dma_wait3A_33 = arith.constant 0 : i32
        %dma_wait3A_34 = tpu.memref_slice %arg10[%dma_wait3A_32, %dma_wait3A_33] : memref<10000x128xf32, #tpu.memory_space<vmem_shared>> -> memref<520x128xf32, #tpu.memory_space<vmem_shared>>
        tpu.wait_dma2 semaphore(%run_scoped3A : memref<!tpu.dma_semaphore, #tpu.memory_space<semaphore_mem>>) src(%dma_wait3A_34 : memref<520x128xf32, #tpu.memory_space<vmem_shared>>) dst(%dma_wait3A_31 : memref<520x128xf32, #tpu.memory_space<hbm>>)
        tpu.yield
      }) : () -> ()
    } else {
    }
    return
  }
}

#map = affine_map<(d0, d1) -> (0, 0)>
#map1 = affine_map<(d0, d1) -> (0, 0, 0)>
module attributes {stable_mosaic.version = 14 : i64} {
  func.func @agg_kernel(%arg0: i32, %arg1: i32, %arg2: memref<10000x128xf32, #tpu.memory_space<hbm>>, %arg3: memref<32x125x80xi32, #tpu.memory_space<hbm>>, %arg4: memref<32x125x80xi32, #tpu.memory_space<hbm>>, %arg5: memref<10000x128xf32, #tpu.memory_space<hbm>>, %arg6: memref<2x10000x128xf32, #tpu.memory_space<hbm>>, %arg7: memref<125x80xi32, #tpu.memory_space<vmem>>, %arg8: memref<125x80xi32, #tpu.memory_space<vmem>>, %arg9: memref<80x128xf32, #tpu.memory_space<vmem>>, %arg10: memref<10000x128xf32, #tpu.memory_space<vmem_shared>>, %arg11: memref<!tpu.dma_semaphore, #tpu.memory_space<semaphore_mem>>) attributes {dimension_semantics = [#tpu.dimension_semantics<core_parallel>, #tpu.dimension_semantics<subcore_parallel>], iteration_bounds = array<i64: 2, 16>, scalar_prefetch = 0 : i64, scratch_operands = 5 : i64, tpu.core_type = #tpu.core_type<sc_vector_subcore>, window_params = [{transform_indices = #map}, {transform_indices = #map1}, {transform_indices = #map1}, {transform_indices = #map}, {transform_indices = #map1}]} {
    %mul3A = arith.constant 16 : i32
    %mul3A_0 = arith.muli %arg0, %mul3A : i32
    %add3A = arith.addi %mul3A_0, %arg1 : i32
    "tpu.region"() ({
      %run_scoped3A = tpu.sem_alloc : memref<!tpu.dma_semaphore, #tpu.memory_space<semaphore_mem>>
      %dma_start3A = arith.constant 0 : i32
      %dma_start3A_23 = arith.constant 0 : i32
      %dma_start3A_24 = tpu.memref_slice %arg3[%add3A, %dma_start3A, %dma_start3A_23] : memref<32x125x80xi32, #tpu.memory_space<hbm>> -> memref<1x125x80xi32, #tpu.memory_space<hbm>>
      %dma_start3A_25 = tpu.memref_squeeze %dma_start3A_24 : memref<1x125x80xi32, #tpu.memory_space<hbm>> -> memref<125x80xi32, #tpu.memory_space<hbm>>
      %dma_start3A_26 = arith.constant 0 : i32
      %dma_start3A_27 = arith.constant 0 : i32
      %dma_start3A_28 = tpu.memref_slice %arg3[%add3A, %dma_start3A_26, %dma_start3A_27] : memref<32x125x80xi32, #tpu.memory_space<hbm>> -> memref<1x125x80xi32, #tpu.memory_space<hbm>>
      %dma_start3A_29 = tpu.memref_squeeze %dma_start3A_28 : memref<1x125x80xi32, #tpu.memory_space<hbm>> -> memref<125x80xi32, #tpu.memory_space<hbm>>
      tpu.enqueue_dma source(%dma_start3A_29 : memref<125x80xi32, #tpu.memory_space<hbm>>) target(%arg7 : memref<125x80xi32, #tpu.memory_space<vmem>>) target_semaphore(%run_scoped3A : memref<!tpu.dma_semaphore, #tpu.memory_space<semaphore_mem>>)
      %dma_wait3A = arith.constant 0 : i32
      %dma_wait3A_30 = arith.constant 0 : i32
      %dma_wait3A_31 = tpu.memref_slice %arg3[%add3A, %dma_wait3A, %dma_wait3A_30] : memref<32x125x80xi32, #tpu.memory_space<hbm>> -> memref<1x125x80xi32, #tpu.memory_space<hbm>>
      %dma_wait3A_32 = tpu.memref_squeeze %dma_wait3A_31 : memref<1x125x80xi32, #tpu.memory_space<hbm>> -> memref<125x80xi32, #tpu.memory_space<hbm>>
      %dma_wait3A_33 = arith.constant 0 : i32
      %dma_wait3A_34 = arith.constant 0 : i32
      %dma_wait3A_35 = tpu.memref_slice %arg3[%add3A, %dma_wait3A_33, %dma_wait3A_34] : memref<32x125x80xi32, #tpu.memory_space<hbm>> -> memref<1x125x80xi32, #tpu.memory_space<hbm>>
      %dma_wait3A_36 = tpu.memref_squeeze %dma_wait3A_35 : memref<1x125x80xi32, #tpu.memory_space<hbm>> -> memref<125x80xi32, #tpu.memory_space<hbm>>
      tpu.wait_dma2 semaphore(%run_scoped3A : memref<!tpu.dma_semaphore, #tpu.memory_space<semaphore_mem>>) src(%dma_wait3A_36 : memref<125x80xi32, #tpu.memory_space<hbm>>) dst(%arg7 : memref<125x80xi32, #tpu.memory_space<vmem>>)
      tpu.yield
    }) : () -> ()
    "tpu.region"() ({
      %run_scoped3A = tpu.sem_alloc : memref<!tpu.dma_semaphore, #tpu.memory_space<semaphore_mem>>
      %dma_start3A = arith.constant 0 : i32
      %dma_start3A_23 = arith.constant 0 : i32
      %dma_start3A_24 = tpu.memref_slice %arg4[%add3A, %dma_start3A, %dma_start3A_23] : memref<32x125x80xi32, #tpu.memory_space<hbm>> -> memref<1x125x80xi32, #tpu.memory_space<hbm>>
      %dma_start3A_25 = tpu.memref_squeeze %dma_start3A_24 : memref<1x125x80xi32, #tpu.memory_space<hbm>> -> memref<125x80xi32, #tpu.memory_space<hbm>>
      %dma_start3A_26 = arith.constant 0 : i32
      %dma_start3A_27 = arith.constant 0 : i32
      %dma_start3A_28 = tpu.memref_slice %arg4[%add3A, %dma_start3A_26, %dma_start3A_27] : memref<32x125x80xi32, #tpu.memory_space<hbm>> -> memref<1x125x80xi32, #tpu.memory_space<hbm>>
      %dma_start3A_29 = tpu.memref_squeeze %dma_start3A_28 : memref<1x125x80xi32, #tpu.memory_space<hbm>> -> memref<125x80xi32, #tpu.memory_space<hbm>>
      tpu.enqueue_dma source(%dma_start3A_29 : memref<125x80xi32, #tpu.memory_space<hbm>>) target(%arg8 : memref<125x80xi32, #tpu.memory_space<vmem>>) target_semaphore(%run_scoped3A : memref<!tpu.dma_semaphore, #tpu.memory_space<semaphore_mem>>)
      %dma_wait3A = arith.constant 0 : i32
      %dma_wait3A_30 = arith.constant 0 : i32
      %dma_wait3A_31 = tpu.memref_slice %arg4[%add3A, %dma_wait3A, %dma_wait3A_30] : memref<32x125x80xi32, #tpu.memory_space<hbm>> -> memref<1x125x80xi32, #tpu.memory_space<hbm>>
      %dma_wait3A_32 = tpu.memref_squeeze %dma_wait3A_31 : memref<1x125x80xi32, #tpu.memory_space<hbm>> -> memref<125x80xi32, #tpu.memory_space<hbm>>
      %dma_wait3A_33 = arith.constant 0 : i32
      %dma_wait3A_34 = arith.constant 0 : i32
      %dma_wait3A_35 = tpu.memref_slice %arg4[%add3A, %dma_wait3A_33, %dma_wait3A_34] : memref<32x125x80xi32, #tpu.memory_space<hbm>> -> memref<1x125x80xi32, #tpu.memory_space<hbm>>
      %dma_wait3A_36 = tpu.memref_squeeze %dma_wait3A_35 : memref<1x125x80xi32, #tpu.memory_space<hbm>> -> memref<125x80xi32, #tpu.memory_space<hbm>>
      tpu.wait_dma2 semaphore(%run_scoped3A : memref<!tpu.dma_semaphore, #tpu.memory_space<semaphore_mem>>) src(%dma_wait3A_36 : memref<125x80xi32, #tpu.memory_space<hbm>>) dst(%arg8 : memref<125x80xi32, #tpu.memory_space<vmem>>)
      tpu.yield
    }) : () -> ()
    %lt3A = arith.constant 15 : i32
    %lt3A_1 = arith.cmpi slt, %arg1, %lt3A : i32
    %convert_element_type3A = arith.extui %lt3A_1 : i1 to i32
    %cond3A = arith.constant 0 : i32
    %cond3A_2 = arith.cmpi ne, %convert_element_type3A, %cond3A : i32
    scf.if %cond3A_2 {
      %mul3A_23 = arith.constant 632 : i32
      %mul3A_24 = arith.muli %arg1, %mul3A_23 : i32
      %multiple_of3A = tpu.assume_multiple %mul3A_24, 8 : i32
      "tpu.region"() ({
        %run_scoped3A = tpu.sem_alloc : memref<!tpu.dma_semaphore, #tpu.memory_space<semaphore_mem>>
        %dma_start3A = arith.constant 0 : i32
        %dma_start3A_25 = tpu.memref_slice %arg10[%multiple_of3A, %dma_start3A] : memref<10000x128xf32, #tpu.memory_space<vmem_shared>> -> memref<632x128xf32, #tpu.memory_space<vmem_shared>>
        %dma_start3A_26 = arith.constant 0 : i32
        %dma_start3A_27 = tpu.memref_slice %arg5[%multiple_of3A, %dma_start3A_26] : memref<10000x128xf32, #tpu.memory_space<hbm>> -> memref<632x128xf32, #tpu.memory_space<hbm>>
        tpu.enqueue_dma source(%dma_start3A_27 : memref<632x128xf32, #tpu.memory_space<hbm>>) target(%dma_start3A_25 : memref<632x128xf32, #tpu.memory_space<vmem_shared>>) target_semaphore(%run_scoped3A : memref<!tpu.dma_semaphore, #tpu.memory_space<semaphore_mem>>)
        %dma_wait3A = arith.constant 0 : i32
        %dma_wait3A_28 = tpu.memref_slice %arg10[%multiple_of3A, %dma_wait3A] : memref<10000x128xf32, #tpu.memory_space<vmem_shared>> -> memref<632x128xf32, #tpu.memory_space<vmem_shared>>
        %dma_wait3A_29 = arith.constant 0 : i32
        %dma_wait3A_30 = tpu.memref_slice %arg5[%multiple_of3A, %dma_wait3A_29] : memref<10000x128xf32, #tpu.memory_space<hbm>> -> memref<632x128xf32, #tpu.memory_space<hbm>>
        tpu.wait_dma2 semaphore(%run_scoped3A : memref<!tpu.dma_semaphore, #tpu.memory_space<semaphore_mem>>) src(%dma_wait3A_30 : memref<632x128xf32, #tpu.memory_space<hbm>>) dst(%dma_wait3A_28 : memref<632x128xf32, #tpu.memory_space<vmem_shared>>)
        tpu.yield
      }) : () -> ()
    } else {
    }
    %eq3A = arith.constant 15 : i32
    %eq3A_3 = arith.cmpi eq, %arg1, %eq3A : i32
    %convert_element_type3A_4 = arith.extui %eq3A_3 : i1 to i32
    %cond3A_5 = arith.constant 0 : i32
    %cond3A_6 = arith.cmpi ne, %convert_element_type3A_4, %cond3A_5 : i32
    scf.if %cond3A_6 {
      "tpu.region"() ({
        %run_scoped3A = tpu.sem_alloc : memref<!tpu.dma_semaphore, #tpu.memory_space<semaphore_mem>>
        %dma_start3A = arith.constant 9480 : i32
        %dma_start3A_23 = arith.constant 0 : i32
        %dma_start3A_24 = tpu.memref_slice %arg10[%dma_start3A, %dma_start3A_23] : memref<10000x128xf32, #tpu.memory_space<vmem_shared>> -> memref<520x128xf32, #tpu.memory_space<vmem_shared>>
        %dma_start3A_25 = arith.constant 9480 : i32
        %dma_start3A_26 = arith.constant 0 : i32
        %dma_start3A_27 = tpu.memref_slice %arg5[%dma_start3A_25, %dma_start3A_26] : memref<10000x128xf32, #tpu.memory_space<hbm>> -> memref<520x128xf32, #tpu.memory_space<hbm>>
        tpu.enqueue_dma source(%dma_start3A_27 : memref<520x128xf32, #tpu.memory_space<hbm>>) target(%dma_start3A_24 : memref<520x128xf32, #tpu.memory_space<vmem_shared>>) target_semaphore(%run_scoped3A : memref<!tpu.dma_semaphore, #tpu.memory_space<semaphore_mem>>)
        %dma_wait3A = arith.constant 9480 : i32
        %dma_wait3A_28 = arith.constant 0 : i32
        %dma_wait3A_29 = tpu.memref_slice %arg10[%dma_wait3A, %dma_wait3A_28] : memref<10000x128xf32, #tpu.memory_space<vmem_shared>> -> memref<520x128xf32, #tpu.memory_space<vmem_shared>>
        %dma_wait3A_30 = arith.constant 9480 : i32
        %dma_wait3A_31 = arith.constant 0 : i32
        %dma_wait3A_32 = tpu.memref_slice %arg5[%dma_wait3A_30, %dma_wait3A_31] : memref<10000x128xf32, #tpu.memory_space<hbm>> -> memref<520x128xf32, #tpu.memory_space<hbm>>
        tpu.wait_dma2 semaphore(%run_scoped3A : memref<!tpu.dma_semaphore, #tpu.memory_space<semaphore_mem>>) src(%dma_wait3A_32 : memref<520x128xf32, #tpu.memory_space<hbm>>) dst(%dma_wait3A_29 : memref<520x128xf32, #tpu.memory_space<vmem_shared>>)
        tpu.yield
      }) : () -> ()
    } else {
    }
    %barrier3A = arith.constant 0 : index
    tpu.barrier barrier_id(%barrier3A)
    %scan3A = arith.constant 0 : i32
    %scan3A_7 = arith.constant 0 : i32
    %scan3A_8 = arith.constant 125 : i32
    %scan3A_9 = arith.addi %scan3A_7, %scan3A_8 : i32
    %scan3A_10 = arith.constant 1 : i32
    scf.for %scan3A_23 = %scan3A_7 to %scan3A_9 step %scan3A_10  : i32 {
      %dma_start3A = arith.constant 0 : i32
      %dma_start3A_24 = tpu.memref_slice %arg7[%scan3A_23, %dma_start3A] : memref<125x80xi32, #tpu.memory_space<vmem>> -> memref<1x80xi32, #tpu.memory_space<vmem>>
      %dma_start3A_25 = tpu.memref_squeeze %dma_start3A_24 : memref<1x80xi32, #tpu.memory_space<vmem>> -> memref<80xi32, #tpu.memory_space<vmem>>
      %dma_start3A_26 = arith.constant 0 : i32
      %dma_start3A_27 = arith.constant 0 : i32
      %dma_start3A_28 = tpu.memref_slice %arg2[%dma_start3A_26, %dma_start3A_27] : memref<10000x128xf32, #tpu.memory_space<hbm>> -> memref<10000x128xf32, #tpu.memory_space<hbm>>
      tpu.enqueue_indirect_dma source(%dma_start3A_28 : memref<10000x128xf32, #tpu.memory_space<hbm>>) target(%arg9 : memref<80x128xf32, #tpu.memory_space<vmem>>) offsets(%dma_start3A_25 : memref<80xi32, #tpu.memory_space<vmem>>) semaphore(%arg11 : memref<!tpu.dma_semaphore, #tpu.memory_space<semaphore_mem>>)
      %dma_wait3A = arith.constant 0 : i32
      %dma_wait3A_29 = tpu.memref_slice %arg7[%scan3A_23, %dma_wait3A] : memref<125x80xi32, #tpu.memory_space<vmem>> -> memref<1x80xi32, #tpu.memory_space<vmem>>
      %dma_wait3A_30 = tpu.memref_squeeze %dma_wait3A_29 : memref<1x80xi32, #tpu.memory_space<vmem>> -> memref<80xi32, #tpu.memory_space<vmem>>
      %dma_wait3A_31 = arith.constant 0 : i32
      %dma_wait3A_32 = arith.constant 0 : i32
      %dma_wait3A_33 = tpu.memref_slice %arg2[%dma_wait3A_31, %dma_wait3A_32] : memref<10000x128xf32, #tpu.memory_space<hbm>> -> memref<10000x128xf32, #tpu.memory_space<hbm>>
      tpu.wait_indirect_dma semaphore(%arg11 : memref<!tpu.dma_semaphore, #tpu.memory_space<semaphore_mem>>) src(%dma_wait3A_33 : memref<10000x128xf32, #tpu.memory_space<hbm>>) dst(%arg9 : memref<80x128xf32, #tpu.memory_space<vmem>>)
      "tpu.region"() ({
        %run_scoped3A = tpu.sem_alloc : memref<!tpu.dma_semaphore, #tpu.memory_space<semaphore_mem>>
        %dma_start3A_34 = arith.constant 0 : i32
        %dma_start3A_35 = tpu.memref_slice %arg8[%scan3A_23, %dma_start3A_34] : memref<125x80xi32, #tpu.memory_space<vmem>> -> memref<1x80xi32, #tpu.memory_space<vmem>>
        %dma_start3A_36 = tpu.memref_squeeze %dma_start3A_35 : memref<1x80xi32, #tpu.memory_space<vmem>> -> memref<80xi32, #tpu.memory_space<vmem>>
        %dma_start3A_37 = arith.constant 0 : i32
        %dma_start3A_38 = arith.constant 0 : i32
        %dma_start3A_39 = tpu.memref_slice %arg10[%dma_start3A_37, %dma_start3A_38] : memref<10000x128xf32, #tpu.memory_space<vmem_shared>> -> memref<10000x128xf32, #tpu.memory_space<vmem_shared>>
        tpu.enqueue_indirect_dma source(%arg9 : memref<80x128xf32, #tpu.memory_space<vmem>>) target(%dma_start3A_39 : memref<10000x128xf32, #tpu.memory_space<vmem_shared>>) offsets(%dma_start3A_36 : memref<80xi32, #tpu.memory_space<vmem>>) semaphore(%run_scoped3A : memref<!tpu.dma_semaphore, #tpu.memory_space<semaphore_mem>>) {add = true}
        %dma_wait3A_40 = arith.constant 0 : i32
        %dma_wait3A_41 = tpu.memref_slice %arg8[%scan3A_23, %dma_wait3A_40] : memref<125x80xi32, #tpu.memory_space<vmem>> -> memref<1x80xi32, #tpu.memory_space<vmem>>
        %dma_wait3A_42 = tpu.memref_squeeze %dma_wait3A_41 : memref<1x80xi32, #tpu.memory_space<vmem>> -> memref<80xi32, #tpu.memory_space<vmem>>
        %dma_wait3A_43 = arith.constant 0 : i32
        %dma_wait3A_44 = arith.constant 0 : i32
        %dma_wait3A_45 = tpu.memref_slice %arg10[%dma_wait3A_43, %dma_wait3A_44] : memref<10000x128xf32, #tpu.memory_space<vmem_shared>> -> memref<10000x128xf32, #tpu.memory_space<vmem_shared>>
        tpu.wait_indirect_dma semaphore(%run_scoped3A : memref<!tpu.dma_semaphore, #tpu.memory_space<semaphore_mem>>) src(%arg9 : memref<80x128xf32, #tpu.memory_space<vmem>>) dst(%dma_wait3A_45 : memref<10000x128xf32, #tpu.memory_space<vmem_shared>>)
        tpu.yield
      }) : () -> ()
    }
    %scan3A_11 = arith.constant 125 : i32
    %barrier3A_12 = arith.constant 0 : index
    tpu.barrier barrier_id(%barrier3A_12)
    %lt3A_13 = arith.constant 15 : i32
    %lt3A_14 = arith.cmpi slt, %arg1, %lt3A_13 : i32
    %convert_element_type3A_15 = arith.extui %lt3A_14 : i1 to i32
    %cond3A_16 = arith.constant 0 : i32
    %cond3A_17 = arith.cmpi ne, %convert_element_type3A_15, %cond3A_16 : i32
    scf.if %cond3A_17 {
      %mul3A_23 = arith.constant 632 : i32
      %mul3A_24 = arith.muli %arg1, %mul3A_23 : i32
      %multiple_of3A = tpu.assume_multiple %mul3A_24, 8 : i32
      "tpu.region"() ({
        %run_scoped3A = tpu.sem_alloc : memref<!tpu.dma_semaphore, #tpu.memory_space<semaphore_mem>>
        %dma_start3A = arith.constant 0 : i32
        %dma_start3A_25 = tpu.memref_slice %arg6[%arg0, %multiple_of3A, %dma_start3A] : memref<2x10000x128xf32, #tpu.memory_space<hbm>> -> memref<1x632x128xf32, #tpu.memory_space<hbm>>
        %dma_start3A_26 = tpu.memref_squeeze %dma_start3A_25 : memref<1x632x128xf32, #tpu.memory_space<hbm>> -> memref<632x128xf32, #tpu.memory_space<hbm>>
        %dma_start3A_27 = arith.constant 0 : i32
        %dma_start3A_28 = tpu.memref_slice %arg10[%multiple_of3A, %dma_start3A_27] : memref<10000x128xf32, #tpu.memory_space<vmem_shared>> -> memref<632x128xf32, #tpu.memory_space<vmem_shared>>
        tpu.enqueue_dma source(%dma_start3A_28 : memref<632x128xf32, #tpu.memory_space<vmem_shared>>) target(%dma_start3A_26 : memref<632x128xf32, #tpu.memory_space<hbm>>) target_semaphore(%run_scoped3A : memref<!tpu.dma_semaphore, #tpu.memory_space<semaphore_mem>>)
        %dma_wait3A = arith.constant 0 : i32
        %dma_wait3A_29 = tpu.memref_slice %arg6[%arg0, %multiple_of3A, %dma_wait3A] : memref<2x10000x128xf32, #tpu.memory_space<hbm>> -> memref<1x632x128xf32, #tpu.memory_space<hbm>>
        %dma_wait3A_30 = tpu.memref_squeeze %dma_wait3A_29 : memref<1x632x128xf32, #tpu.memory_space<hbm>> -> memref<632x128xf32, #tpu.memory_space<hbm>>
        %dma_wait3A_31 = arith.constant 0 : i32
        %dma_wait3A_32 = tpu.memref_slice %arg10[%multiple_of3A, %dma_wait3A_31] : memref<10000x128xf32, #tpu.memory_space<vmem_shared>> -> memref<632x128xf32, #tpu.memory_space<vmem_shared>>
        tpu.wait_dma2 semaphore(%run_scoped3A : memref<!tpu.dma_semaphore, #tpu.memory_space<semaphore_mem>>) src(%dma_wait3A_32 : memref<632x128xf32, #tpu.memory_space<vmem_shared>>) dst(%dma_wait3A_30 : memref<632x128xf32, #tpu.memory_space<hbm>>)
        tpu.yield
      }) : () -> ()
    } else {
    }
    %eq3A_18 = arith.constant 15 : i32
    %eq3A_19 = arith.cmpi eq, %arg1, %eq3A_18 : i32
    %convert_element_type3A_20 = arith.extui %eq3A_19 : i1 to i32
    %cond3A_21 = arith.constant 0 : i32
    %cond3A_22 = arith.cmpi ne, %convert_element_type3A_20, %cond3A_21 : i32
    scf.if %cond3A_22 {
      "tpu.region"() ({
        %run_scoped3A = tpu.sem_alloc : memref<!tpu.dma_semaphore, #tpu.memory_space<semaphore_mem>>
        %dma_start3A = arith.constant 9480 : i32
        %dma_start3A_23 = arith.constant 0 : i32
        %dma_start3A_24 = tpu.memref_slice %arg6[%arg0, %dma_start3A, %dma_start3A_23] : memref<2x10000x128xf32, #tpu.memory_space<hbm>> -> memref<1x520x128xf32, #tpu.memory_space<hbm>>
        %dma_start3A_25 = tpu.memref_squeeze %dma_start3A_24 : memref<1x520x128xf32, #tpu.memory_space<hbm>> -> memref<520x128xf32, #tpu.memory_space<hbm>>
        %dma_start3A_26 = arith.constant 9480 : i32
        %dma_start3A_27 = arith.constant 0 : i32
        %dma_start3A_28 = tpu.memref_slice %arg10[%dma_start3A_26, %dma_start3A_27] : memref<10000x128xf32, #tpu.memory_space<vmem_shared>> -> memref<520x128xf32, #tpu.memory_space<vmem_shared>>
        tpu.enqueue_dma source(%dma_start3A_28 : memref<520x128xf32, #tpu.memory_space<vmem_shared>>) target(%dma_start3A_25 : memref<520x128xf32, #tpu.memory_space<hbm>>) target_semaphore(%run_scoped3A : memref<!tpu.dma_semaphore, #tpu.memory_space<semaphore_mem>>)
        %dma_wait3A = arith.constant 9480 : i32
        %dma_wait3A_29 = arith.constant 0 : i32
        %dma_wait3A_30 = tpu.memref_slice %arg6[%arg0, %dma_wait3A, %dma_wait3A_29] : memref<2x10000x128xf32, #tpu.memory_space<hbm>> -> memref<1x520x128xf32, #tpu.memory_space<hbm>>
        %dma_wait3A_31 = tpu.memref_squeeze %dma_wait3A_30 : memref<1x520x128xf32, #tpu.memory_space<hbm>> -> memref<520x128xf32, #tpu.memory_space<hbm>>
        %dma_wait3A_32 = arith.constant 9480 : i32
        %dma_wait3A_33 = arith.constant 0 : i32
        %dma_wait3A_34 = tpu.memref_slice %arg10[%dma_wait3A_32, %dma_wait3A_33] : memref<10000x128xf32, #tpu.memory_space<vmem_shared>> -> memref<520x128xf32, #tpu.memory_space<vmem_shared>>
        tpu.wait_dma2 semaphore(%run_scoped3A : memref<!tpu.dma_semaphore, #tpu.memory_space<semaphore_mem>>) src(%dma_wait3A_34 : memref<520x128xf32, #tpu.memory_space<vmem_shared>>) dst(%dma_wait3A_31 : memref<520x128xf32, #tpu.memory_space<hbm>>)
        tpu.yield
      }) : () -> ()
    } else {
    }
    return
  }
}

module attributes {stable_mosaic.version = 14 : i64} {
  func.func @_pre_body(%arg0: memref<10000x128xf32, #tpu.memory_space<vmem>>, %arg1: memref<10000x2xf32, #tpu.memory_space<vmem>>, %arg2: memref<1x128xf32, #tpu.memory_space<vmem>>, %arg3: memref<1x128xf32, #tpu.memory_space<vmem>>, %arg4: memref<128x128xf32, #tpu.memory_space<vmem>>, %arg5: memref<10000x128xf32, #tpu.memory_space<vmem>>) attributes {dimension_semantics = [], scalar_prefetch = 0 : i64, scratch_operands = 0 : i64, tpu.core_type = #tpu.core_type<tc>} {
    %get3A = arith.constant 0 : index
    %get3A_0 = arith.constant 0 : index
    %get3A_1 = vector.load %arg1[%get3A, %get3A_0] : memref<10000x2xf32, #tpu.memory_space<vmem>>, vector<10000x2xf32>
    %slice3A = vector.extract_strided_slice %get3A_1 {offsets = [0, 0], sizes = [10000, 1], strides = [1, 1]} : vector<10000x2xf32> to vector<10000x1xf32>
    %slice3A_2 = vector.extract_strided_slice %get3A_1 {offsets = [0, 1], sizes = [10000, 1], strides = [1, 1]} : vector<10000x2xf32> to vector<10000x1xf32>
    %add3A = arith.addf %slice3A, %slice3A_2 : vector<10000x1xf32>
    %add3A_3 = arith.constant 1.000000e+00 : f32
    %add3A_4 = vector.broadcast %add3A_3 : f32 to vector<10000x1xf32>
    %add3A_5 = arith.addf %add3A, %add3A_4 : vector<10000x1xf32>
    %rsqrt3A = math.rsqrt %add3A_5 : vector<10000x1xf32>
    %get3A_6 = arith.constant 0 : index
    %get3A_7 = arith.constant 0 : index
    %get3A_8 = vector.load %arg0[%get3A_6, %get3A_7] : memref<10000x128xf32, #tpu.memory_space<vmem>>, vector<10000x128xf32>
    %get3A_9 = arith.constant 0 : index
    %get3A_10 = arith.constant 0 : index
    %get3A_11 = vector.load %arg2[%get3A_9, %get3A_10] : memref<1x128xf32, #tpu.memory_space<vmem>>, vector<1x128xf32>
    %get3A_12 = arith.constant 0 : index
    %get3A_13 = arith.constant 0 : index
    %get3A_14 = vector.load %arg3[%get3A_12, %get3A_13] : memref<1x128xf32, #tpu.memory_space<vmem>>, vector<1x128xf32>
    %reduce_sum3A = arith.constant dense<0.000000e+00> : vector<128xf32>
    %reduce_sum3A_15 = vector.multi_reduction <add>, %get3A_8, %reduce_sum3A [0] : vector<10000x128xf32> to vector<128xf32>
    %broadcast_in_dim3A = vector.shape_cast %reduce_sum3A_15 : vector<128xf32> to vector<1x128xf32>
    %div3A = arith.constant 1.000000e+04 : f32
    %div3A_16 = vector.broadcast %div3A : f32 to vector<1x128xf32>
    %div3A_17 = arith.divf %broadcast_in_dim3A, %div3A_16 : vector<1x128xf32>
    %mul3A = arith.mulf %get3A_8, %get3A_8 : vector<10000x128xf32>
    %reduce_sum3A_18 = arith.constant dense<0.000000e+00> : vector<128xf32>
    %reduce_sum3A_19 = vector.multi_reduction <add>, %mul3A, %reduce_sum3A_18 [0] : vector<10000x128xf32> to vector<128xf32>
    %broadcast_in_dim3A_20 = vector.shape_cast %reduce_sum3A_19 : vector<128xf32> to vector<1x128xf32>
    %div3A_21 = arith.constant 1.000000e+04 : f32
    %div3A_22 = vector.broadcast %div3A_21 : f32 to vector<1x128xf32>
    %div3A_23 = arith.divf %broadcast_in_dim3A_20, %div3A_22 : vector<1x128xf32>
    %mul3A_24 = arith.mulf %div3A_17, %div3A_17 : vector<1x128xf32>
    %sub3A = arith.subf %div3A_23, %mul3A_24 : vector<1x128xf32>
    %sub3A_25 = vector.broadcast %div3A_17 : vector<1x128xf32> to vector<10000x128xf32>
    %sub3A_26 = arith.subf %get3A_8, %sub3A_25 : vector<10000x128xf32>
    %mul3A_27 = vector.broadcast %get3A_11 : vector<1x128xf32> to vector<10000x128xf32>
    %mul3A_28 = arith.mulf %mul3A_27, %sub3A_26 : vector<10000x128xf32>
    %add3A_29 = arith.constant 9.99999974E-6 : f32
    %add3A_30 = vector.broadcast %add3A_29 : f32 to vector<1x128xf32>
    %add3A_31 = arith.addf %sub3A, %add3A_30 : vector<1x128xf32>
    %rsqrt3A_32 = math.rsqrt %add3A_31 : vector<1x128xf32>
    %mul3A_33 = vector.broadcast %rsqrt3A_32 : vector<1x128xf32> to vector<10000x128xf32>
    %mul3A_34 = arith.mulf %mul3A_28, %mul3A_33 : vector<10000x128xf32>
    %add3A_35 = vector.broadcast %get3A_14 : vector<1x128xf32> to vector<10000x128xf32>
    %add3A_36 = arith.addf %mul3A_34, %add3A_35 : vector<10000x128xf32>
    %max3A = arith.constant 0.000000e+00 : f32
    %max3A_37 = vector.broadcast %max3A : f32 to vector<10000x128xf32>
    %max3A_38 = arith.maximumf %add3A_36, %max3A_37 : vector<10000x128xf32>
    %get3A_39 = arith.constant 0 : index
    %get3A_40 = arith.constant 0 : index
    %get3A_41 = vector.load %arg4[%get3A_39, %get3A_40] : memref<128x128xf32, #tpu.memory_space<vmem>>, vector<128x128xf32>
    %dot_general3A = arith.constant dense<0.000000e+00> : vector<10000x128xf32>
    %dot_general3A_42 = tpu.matmul %max3A_38, %get3A_41, %dot_general3A {dimension_numbers = #tpu.dot_dimension_numbers<[1], [0], [0], [1], [0, 0, 1, 1], [], []>, transpose_lhs_hint = false} : vector<10000x128xf32>, vector<128x128xf32>, vector<10000x128xf32> -> vector<10000x128xf32>
    %mul3A_43 = vector.broadcast %rsqrt3A : vector<10000x1xf32> to vector<10000x128xf32>
    %mul3A_44 = arith.mulf %dot_general3A_42, %mul3A_43 : vector<10000x128xf32>
    %swap3A = arith.constant 0 : index
    %swap3A_45 = arith.constant 0 : index
    %swap3A_46 = vector.load %arg5[%swap3A, %swap3A_45] : memref<10000x128xf32, #tpu.memory_space<vmem>>, vector<10000x128xf32>
    tpu.vector_store %arg5[%swap3A, %swap3A_45], %mul3A_44 {strides = array<i32>} : memref<10000x128xf32, #tpu.memory_space<vmem>>, vector<10000x128xf32>,
    return
  }
}

module attributes {stable_mosaic.version = 14 : i64} {
  func.func @_post_body(%arg0: memref<10000x128xf32, #tpu.memory_space<vmem>>, %arg1: memref<10000x128xf32, #tpu.memory_space<vmem>>, %arg2: memref<10000x128xf32, #tpu.memory_space<vmem>>, %arg3: memref<10000x128xf32, #tpu.memory_space<vmem>>, %arg4: memref<10000x2xf32, #tpu.memory_space<vmem>>, %arg5: memref<1x128xf32, #tpu.memory_space<vmem>>, %arg6: memref<1x128xf32, #tpu.memory_space<vmem>>, %arg7: memref<1x128xf32, #tpu.memory_space<vmem>>, %arg8: memref<128x128xf32, #tpu.memory_space<vmem>>, %arg9: memref<1x128xf32, #tpu.memory_space<vmem>>, %arg10: memref<1x128xf32, #tpu.memory_space<vmem>>, %arg11: memref<1x128xf32, #tpu.memory_space<vmem>>, %arg12: memref<1x128xf32, #tpu.memory_space<vmem>>, %arg13: memref<1x128xf32, #tpu.memory_space<vmem>>, %arg14: memref<128x128xf32, #tpu.memory_space<vmem>>, %arg15: memref<10000x128xf32, #tpu.memory_space<vmem>>, %arg16: memref<10000x128xf32, #tpu.memory_space<vmem>>) attributes {dimension_semantics = [], scalar_prefetch = 0 : i64, scratch_operands = 0 : i64, tpu.core_type = #tpu.core_type<tc>} {
    %get3A = arith.constant 0 : index
    %get3A_0 = arith.constant 0 : index
    %get3A_1 = vector.load %arg4[%get3A, %get3A_0] : memref<10000x2xf32, #tpu.memory_space<vmem>>, vector<10000x2xf32>
    %slice3A = vector.extract_strided_slice %get3A_1 {offsets = [0, 0], sizes = [10000, 1], strides = [1, 1]} : vector<10000x2xf32> to vector<10000x1xf32>
    %slice3A_2 = vector.extract_strided_slice %get3A_1 {offsets = [0, 1], sizes = [10000, 1], strides = [1, 1]} : vector<10000x2xf32> to vector<10000x1xf32>
    %add3A = arith.addf %slice3A, %slice3A_2 : vector<10000x1xf32>
    %add3A_3 = arith.constant 1.000000e+00 : f32
    %add3A_4 = vector.broadcast %add3A_3 : f32 to vector<10000x1xf32>
    %add3A_5 = arith.addf %add3A, %add3A_4 : vector<10000x1xf32>
    %rsqrt3A = math.rsqrt %add3A_5 : vector<10000x1xf32>
    %get3A_6 = arith.constant 0 : index
    %get3A_7 = arith.constant 0 : index
    %get3A_8 = vector.load %arg2[%get3A_6, %get3A_7] : memref<10000x128xf32, #tpu.memory_space<vmem>>, vector<10000x128xf32>
    %get3A_9 = arith.constant 0 : index
    %get3A_10 = arith.constant 0 : index
    %get3A_11 = vector.load %arg3[%get3A_9, %get3A_10] : memref<10000x128xf32, #tpu.memory_space<vmem>>, vector<10000x128xf32>
    %add3A_12 = arith.addf %get3A_8, %get3A_11 : vector<10000x128xf32>
    %get3A_13 = arith.constant 0 : index
    %get3A_14 = arith.constant 0 : index
    %get3A_15 = vector.load %arg1[%get3A_13, %get3A_14] : memref<10000x128xf32, #tpu.memory_space<vmem>>, vector<10000x128xf32>
    %add3A_16 = arith.addf %add3A_12, %get3A_15 : vector<10000x128xf32>
    %mul3A = vector.broadcast %rsqrt3A : vector<10000x1xf32> to vector<10000x128xf32>
    %mul3A_17 = arith.mulf %mul3A, %add3A_16 : vector<10000x128xf32>
    %get3A_18 = arith.constant 0 : index
    %get3A_19 = arith.constant 0 : index
    %get3A_20 = vector.load %arg5[%get3A_18, %get3A_19] : memref<1x128xf32, #tpu.memory_space<vmem>>, vector<1x128xf32>
    %add3A_21 = vector.broadcast %get3A_20 : vector<1x128xf32> to vector<10000x128xf32>
    %add3A_22 = arith.addf %mul3A_17, %add3A_21 : vector<10000x128xf32>
    %get3A_23 = arith.constant 0 : index
    %get3A_24 = arith.constant 0 : index
    %get3A_25 = vector.load %arg6[%get3A_23, %get3A_24] : memref<1x128xf32, #tpu.memory_space<vmem>>, vector<1x128xf32>
    %get3A_26 = arith.constant 0 : index
    %get3A_27 = arith.constant 0 : index
    %get3A_28 = vector.load %arg7[%get3A_26, %get3A_27] : memref<1x128xf32, #tpu.memory_space<vmem>>, vector<1x128xf32>
    %reduce_sum3A = arith.constant dense<0.000000e+00> : vector<128xf32>
    %reduce_sum3A_29 = vector.multi_reduction <add>, %add3A_22, %reduce_sum3A [0] : vector<10000x128xf32> to vector<128xf32>
    %broadcast_in_dim3A = vector.shape_cast %reduce_sum3A_29 : vector<128xf32> to vector<1x128xf32>
    %div3A = arith.constant 1.000000e+04 : f32
    %div3A_30 = vector.broadcast %div3A : f32 to vector<1x128xf32>
    %div3A_31 = arith.divf %broadcast_in_dim3A, %div3A_30 : vector<1x128xf32>
    %mul3A_32 = arith.mulf %add3A_22, %add3A_22 : vector<10000x128xf32>
    %reduce_sum3A_33 = arith.constant dense<0.000000e+00> : vector<128xf32>
    %reduce_sum3A_34 = vector.multi_reduction <add>, %mul3A_32, %reduce_sum3A_33 [0] : vector<10000x128xf32> to vector<128xf32>
    %broadcast_in_dim3A_35 = vector.shape_cast %reduce_sum3A_34 : vector<128xf32> to vector<1x128xf32>
    %div3A_36 = arith.constant 1.000000e+04 : f32
    %div3A_37 = vector.broadcast %div3A_36 : f32 to vector<1x128xf32>
    %div3A_38 = arith.divf %broadcast_in_dim3A_35, %div3A_37 : vector<1x128xf32>
    %mul3A_39 = arith.mulf %div3A_31, %div3A_31 : vector<1x128xf32>
    %sub3A = arith.subf %div3A_38, %mul3A_39 : vector<1x128xf32>
    %sub3A_40 = vector.broadcast %div3A_31 : vector<1x128xf32> to vector<10000x128xf32>
    %sub3A_41 = arith.subf %add3A_22, %sub3A_40 : vector<10000x128xf32>
    %mul3A_42 = vector.broadcast %get3A_25 : vector<1x128xf32> to vector<10000x128xf32>
    %mul3A_43 = arith.mulf %mul3A_42, %sub3A_41 : vector<10000x128xf32>
    %add3A_44 = arith.constant 9.99999974E-6 : f32
    %add3A_45 = vector.broadcast %add3A_44 : f32 to vector<1x128xf32>
    %add3A_46 = arith.addf %sub3A, %add3A_45 : vector<1x128xf32>
    %rsqrt3A_47 = math.rsqrt %add3A_46 : vector<1x128xf32>
    %mul3A_48 = vector.broadcast %rsqrt3A_47 : vector<1x128xf32> to vector<10000x128xf32>
    %mul3A_49 = arith.mulf %mul3A_43, %mul3A_48 : vector<10000x128xf32>
    %add3A_50 = vector.broadcast %get3A_28 : vector<1x128xf32> to vector<10000x128xf32>
    %add3A_51 = arith.addf %mul3A_49, %add3A_50 : vector<10000x128xf32>
    %max3A = arith.constant 0.000000e+00 : f32
    %max3A_52 = vector.broadcast %max3A : f32 to vector<10000x128xf32>
    %max3A_53 = arith.maximumf %add3A_51, %max3A_52 : vector<10000x128xf32>
    %get3A_54 = arith.constant 0 : index
    %get3A_55 = arith.constant 0 : index
    %get3A_56 = vector.load %arg8[%get3A_54, %get3A_55] : memref<128x128xf32, #tpu.memory_space<vmem>>, vector<128x128xf32>
    %dot_general3A = arith.constant dense<0.000000e+00> : vector<10000x128xf32>
    %dot_general3A_57 = tpu.matmul %max3A_53, %get3A_56, %dot_general3A {dimension_numbers = #tpu.dot_dimension_numbers<[1], [0], [0], [1], [0, 0, 1, 1], [], []>, transpose_lhs_hint = false} : vector<10000x128xf32>, vector<128x128xf32>, vector<10000x128xf32> -> vector<10000x128xf32>
    %get3A_58 = arith.constant 0 : index
    %get3A_59 = arith.constant 0 : index
    %get3A_60 = vector.load %arg9[%get3A_58, %get3A_59] : memref<1x128xf32, #tpu.memory_space<vmem>>, vector<1x128xf32>
    %add3A_61 = vector.broadcast %get3A_60 : vector<1x128xf32> to vector<10000x128xf32>
    %add3A_62 = arith.addf %dot_general3A_57, %add3A_61 : vector<10000x128xf32>
    %get3A_63 = arith.constant 0 : index
    %get3A_64 = arith.constant 0 : index
    %get3A_65 = vector.load %arg10[%get3A_63, %get3A_64] : memref<1x128xf32, #tpu.memory_space<vmem>>, vector<1x128xf32>
    %get3A_66 = arith.constant 0 : index
    %get3A_67 = arith.constant 0 : index
    %get3A_68 = vector.load %arg11[%get3A_66, %get3A_67] : memref<1x128xf32, #tpu.memory_space<vmem>>, vector<1x128xf32>
    %reduce_sum3A_69 = arith.constant dense<0.000000e+00> : vector<128xf32>
    %reduce_sum3A_70 = vector.multi_reduction <add>, %add3A_62, %reduce_sum3A_69 [0] : vector<10000x128xf32> to vector<128xf32>
    %broadcast_in_dim3A_71 = vector.shape_cast %reduce_sum3A_70 : vector<128xf32> to vector<1x128xf32>
    %div3A_72 = arith.constant 1.000000e+04 : f32
    %div3A_73 = vector.broadcast %div3A_72 : f32 to vector<1x128xf32>
    %div3A_74 = arith.divf %broadcast_in_dim3A_71, %div3A_73 : vector<1x128xf32>
    %mul3A_75 = arith.mulf %add3A_62, %add3A_62 : vector<10000x128xf32>
    %reduce_sum3A_76 = arith.constant dense<0.000000e+00> : vector<128xf32>
    %reduce_sum3A_77 = vector.multi_reduction <add>, %mul3A_75, %reduce_sum3A_76 [0] : vector<10000x128xf32> to vector<128xf32>
    %broadcast_in_dim3A_78 = vector.shape_cast %reduce_sum3A_77 : vector<128xf32> to vector<1x128xf32>
    %div3A_79 = arith.constant 1.000000e+04 : f32
    %div3A_80 = vector.broadcast %div3A_79 : f32 to vector<1x128xf32>
    %div3A_81 = arith.divf %broadcast_in_dim3A_78, %div3A_80 : vector<1x128xf32>
    %mul3A_82 = arith.mulf %div3A_74, %div3A_74 : vector<1x128xf32>
    %sub3A_83 = arith.subf %div3A_81, %mul3A_82 : vector<1x128xf32>
    %sub3A_84 = vector.broadcast %div3A_74 : vector<1x128xf32> to vector<10000x128xf32>
    %sub3A_85 = arith.subf %add3A_62, %sub3A_84 : vector<10000x128xf32>
    %mul3A_86 = vector.broadcast %get3A_65 : vector<1x128xf32> to vector<10000x128xf32>
    %mul3A_87 = arith.mulf %mul3A_86, %sub3A_85 : vector<10000x128xf32>
    %add3A_88 = arith.constant 9.99999974E-6 : f32
    %add3A_89 = vector.broadcast %add3A_88 : f32 to vector<1x128xf32>
    %add3A_90 = arith.addf %sub3A_83, %add3A_89 : vector<1x128xf32>
    %rsqrt3A_91 = math.rsqrt %add3A_90 : vector<1x128xf32>
    %mul3A_92 = vector.broadcast %rsqrt3A_91 : vector<1x128xf32> to vector<10000x128xf32>
    %mul3A_93 = arith.mulf %mul3A_87, %mul3A_92 : vector<10000x128xf32>
    %add3A_94 = vector.broadcast %get3A_68 : vector<1x128xf32> to vector<10000x128xf32>
    %add3A_95 = arith.addf %mul3A_93, %add3A_94 : vector<10000x128xf32>
    %max3A_96 = arith.constant 0.000000e+00 : f32
    %max3A_97 = vector.broadcast %max3A_96 : f32 to vector<10000x128xf32>
    %max3A_98 = arith.maximumf %add3A_95, %max3A_97 : vector<10000x128xf32>
    %get3A_99 = arith.constant 0 : index
    %get3A_100 = arith.constant 0 : index
    %get3A_101 = vector.load %arg0[%get3A_99, %get3A_100] : memref<10000x128xf32, #tpu.memory_space<vmem>>, vector<10000x128xf32>
    %add3A_102 = arith.addf %max3A_98, %get3A_101 : vector<10000x128xf32>
    %swap3A = arith.constant 0 : index
    %swap3A_103 = arith.constant 0 : index
    %swap3A_104 = vector.load %arg15[%swap3A, %swap3A_103] : memref<10000x128xf32, #tpu.memory_space<vmem>>, vector<10000x128xf32>
    tpu.vector_store %arg15[%swap3A, %swap3A_103], %add3A_102 {strides = array<i32>} : memref<10000x128xf32, #tpu.memory_space<vmem>>, vector<10000x128xf32>,
    %get3A_105 = arith.constant 0 : index
    %get3A_106 = arith.constant 0 : index
    %get3A_107 = vector.load %arg12[%get3A_105, %get3A_106] : memref<1x128xf32, #tpu.memory_space<vmem>>, vector<1x128xf32>
    %get3A_108 = arith.constant 0 : index
    %get3A_109 = arith.constant 0 : index
    %get3A_110 = vector.load %arg13[%get3A_108, %get3A_109] : memref<1x128xf32, #tpu.memory_space<vmem>>, vector<1x128xf32>
    %reduce_sum3A_111 = arith.constant dense<0.000000e+00> : vector<128xf32>
    %reduce_sum3A_112 = vector.multi_reduction <add>, %add3A_102, %reduce_sum3A_111 [0] : vector<10000x128xf32> to vector<128xf32>
    %broadcast_in_dim3A_113 = vector.shape_cast %reduce_sum3A_112 : vector<128xf32> to vector<1x128xf32>
    %div3A_114 = arith.constant 1.000000e+04 : f32
    %div3A_115 = vector.broadcast %div3A_114 : f32 to vector<1x128xf32>
    %div3A_116 = arith.divf %broadcast_in_dim3A_113, %div3A_115 : vector<1x128xf32>
    %mul3A_117 = arith.mulf %add3A_102, %add3A_102 : vector<10000x128xf32>
    %reduce_sum3A_118 = arith.constant dense<0.000000e+00> : vector<128xf32>
    %reduce_sum3A_119 = vector.multi_reduction <add>, %mul3A_117, %reduce_sum3A_118 [0] : vector<10000x128xf32> to vector<128xf32>
    %broadcast_in_dim3A_120 = vector.shape_cast %reduce_sum3A_119 : vector<128xf32> to vector<1x128xf32>
    %div3A_121 = arith.constant 1.000000e+04 : f32
    %div3A_122 = vector.broadcast %div3A_121 : f32 to vector<1x128xf32>
    %div3A_123 = arith.divf %broadcast_in_dim3A_120, %div3A_122 : vector<1x128xf32>
    %mul3A_124 = arith.mulf %div3A_116, %div3A_116 : vector<1x128xf32>
    %sub3A_125 = arith.subf %div3A_123, %mul3A_124 : vector<1x128xf32>
    %sub3A_126 = vector.broadcast %div3A_116 : vector<1x128xf32> to vector<10000x128xf32>
    %sub3A_127 = arith.subf %add3A_102, %sub3A_126 : vector<10000x128xf32>
    %mul3A_128 = vector.broadcast %get3A_107 : vector<1x128xf32> to vector<10000x128xf32>
    %mul3A_129 = arith.mulf %mul3A_128, %sub3A_127 : vector<10000x128xf32>
    %add3A_130 = arith.constant 9.99999974E-6 : f32
    %add3A_131 = vector.broadcast %add3A_130 : f32 to vector<1x128xf32>
    %add3A_132 = arith.addf %sub3A_125, %add3A_131 : vector<1x128xf32>
    %rsqrt3A_133 = math.rsqrt %add3A_132 : vector<1x128xf32>
    %mul3A_134 = vector.broadcast %rsqrt3A_133 : vector<1x128xf32> to vector<10000x128xf32>
    %mul3A_135 = arith.mulf %mul3A_129, %mul3A_134 : vector<10000x128xf32>
    %add3A_136 = vector.broadcast %get3A_110 : vector<1x128xf32> to vector<10000x128xf32>
    %add3A_137 = arith.addf %mul3A_135, %add3A_136 : vector<10000x128xf32>
    %max3A_138 = arith.constant 0.000000e+00 : f32
    %max3A_139 = vector.broadcast %max3A_138 : f32 to vector<10000x128xf32>
    %max3A_140 = arith.maximumf %add3A_137, %max3A_139 : vector<10000x128xf32>
    %get3A_141 = arith.constant 0 : index
    %get3A_142 = arith.constant 0 : index
    %get3A_143 = vector.load %arg14[%get3A_141, %get3A_142] : memref<128x128xf32, #tpu.memory_space<vmem>>, vector<128x128xf32>
    %dot_general3A_144 = arith.constant dense<0.000000e+00> : vector<10000x128xf32>
    %dot_general3A_145 = tpu.matmul %max3A_140, %get3A_143, %dot_general3A_144 {dimension_numbers = #tpu.dot_dimension_numbers<[1], [0], [0], [1], [0, 0, 1, 1], [], []>, transpose_lhs_hint = false} : vector<10000x128xf32>, vector<128x128xf32>, vector<10000x128xf32> -> vector<10000x128xf32>
    %mul3A_146 = vector.broadcast %rsqrt3A : vector<10000x1xf32> to vector<10000x128xf32>
    %mul3A_147 = arith.mulf %dot_general3A_145, %mul3A_146 : vector<10000x128xf32>
    %swap3A_148 = arith.constant 0 : index
    %swap3A_149 = arith.constant 0 : index
    %swap3A_150 = vector.load %arg16[%swap3A_148, %swap3A_149] : memref<10000x128xf32, #tpu.memory_space<vmem>>, vector<10000x128xf32>
    tpu.vector_store %arg16[%swap3A_148, %swap3A_149], %mul3A_147 {strides = array<i32>} : memref<10000x128xf32, #tpu.memory_space<vmem>>, vector<10000x128xf32>,
    return
  }
}

module attributes {stable_mosaic.version = 14 : i64} {
  func.func @_last_body(%arg0: memref<10000x128xf32, #tpu.memory_space<vmem>>, %arg1: memref<10000x128xf32, #tpu.memory_space<vmem>>, %arg2: memref<10000x128xf32, #tpu.memory_space<vmem>>, %arg3: memref<10000x128xf32, #tpu.memory_space<vmem>>, %arg4: memref<10000x2xf32, #tpu.memory_space<vmem>>, %arg5: memref<1x128xf32, #tpu.memory_space<vmem>>, %arg6: memref<1x128xf32, #tpu.memory_space<vmem>>, %arg7: memref<1x128xf32, #tpu.memory_space<vmem>>, %arg8: memref<128x128xf32, #tpu.memory_space<vmem>>, %arg9: memref<1x128xf32, #tpu.memory_space<vmem>>, %arg10: memref<1x128xf32, #tpu.memory_space<vmem>>, %arg11: memref<1x128xf32, #tpu.memory_space<vmem>>, %arg12: memref<10000x128xf32, #tpu.memory_space<vmem>>) attributes {dimension_semantics = [], scalar_prefetch = 0 : i64, scratch_operands = 0 : i64, tpu.core_type = #tpu.core_type<tc>} {
    %get3A = arith.constant 0 : index
    %get3A_0 = arith.constant 0 : index
    %get3A_1 = vector.load %arg4[%get3A, %get3A_0] : memref<10000x2xf32, #tpu.memory_space<vmem>>, vector<10000x2xf32>
    %slice3A = vector.extract_strided_slice %get3A_1 {offsets = [0, 0], sizes = [10000, 1], strides = [1, 1]} : vector<10000x2xf32> to vector<10000x1xf32>
    %slice3A_2 = vector.extract_strided_slice %get3A_1 {offsets = [0, 1], sizes = [10000, 1], strides = [1, 1]} : vector<10000x2xf32> to vector<10000x1xf32>
    %add3A = arith.addf %slice3A, %slice3A_2 : vector<10000x1xf32>
    %add3A_3 = arith.constant 1.000000e+00 : f32
    %add3A_4 = vector.broadcast %add3A_3 : f32 to vector<10000x1xf32>
    %add3A_5 = arith.addf %add3A, %add3A_4 : vector<10000x1xf32>
    %rsqrt3A = math.rsqrt %add3A_5 : vector<10000x1xf32>
    %get3A_6 = arith.constant 0 : index
    %get3A_7 = arith.constant 0 : index
    %get3A_8 = vector.load %arg2[%get3A_6, %get3A_7] : memref<10000x128xf32, #tpu.memory_space<vmem>>, vector<10000x128xf32>
    %get3A_9 = arith.constant 0 : index
    %get3A_10 = arith.constant 0 : index
    %get3A_11 = vector.load %arg3[%get3A_9, %get3A_10] : memref<10000x128xf32, #tpu.memory_space<vmem>>, vector<10000x128xf32>
    %add3A_12 = arith.addf %get3A_8, %get3A_11 : vector<10000x128xf32>
    %get3A_13 = arith.constant 0 : index
    %get3A_14 = arith.constant 0 : index
    %get3A_15 = vector.load %arg1[%get3A_13, %get3A_14] : memref<10000x128xf32, #tpu.memory_space<vmem>>, vector<10000x128xf32>
    %add3A_16 = arith.addf %add3A_12, %get3A_15 : vector<10000x128xf32>
    %mul3A = vector.broadcast %rsqrt3A : vector<10000x1xf32> to vector<10000x128xf32>
    %mul3A_17 = arith.mulf %mul3A, %add3A_16 : vector<10000x128xf32>
    %get3A_18 = arith.constant 0 : index
    %get3A_19 = arith.constant 0 : index
    %get3A_20 = vector.load %arg5[%get3A_18, %get3A_19] : memref<1x128xf32, #tpu.memory_space<vmem>>, vector<1x128xf32>
    %add3A_21 = vector.broadcast %get3A_20 : vector<1x128xf32> to vector<10000x128xf32>
    %add3A_22 = arith.addf %mul3A_17, %add3A_21 : vector<10000x128xf32>
    %get3A_23 = arith.constant 0 : index
    %get3A_24 = arith.constant 0 : index
    %get3A_25 = vector.load %arg6[%get3A_23, %get3A_24] : memref<1x128xf32, #tpu.memory_space<vmem>>, vector<1x128xf32>
    %get3A_26 = arith.constant 0 : index
    %get3A_27 = arith.constant 0 : index
    %get3A_28 = vector.load %arg7[%get3A_26, %get3A_27] : memref<1x128xf32, #tpu.memory_space<vmem>>, vector<1x128xf32>
    %reduce_sum3A = arith.constant dense<0.000000e+00> : vector<128xf32>
    %reduce_sum3A_29 = vector.multi_reduction <add>, %add3A_22, %reduce_sum3A [0] : vector<10000x128xf32> to vector<128xf32>
    %broadcast_in_dim3A = vector.shape_cast %reduce_sum3A_29 : vector<128xf32> to vector<1x128xf32>
    %div3A = arith.constant 1.000000e+04 : f32
    %div3A_30 = vector.broadcast %div3A : f32 to vector<1x128xf32>
    %div3A_31 = arith.divf %broadcast_in_dim3A, %div3A_30 : vector<1x128xf32>
    %mul3A_32 = arith.mulf %add3A_22, %add3A_22 : vector<10000x128xf32>
    %reduce_sum3A_33 = arith.constant dense<0.000000e+00> : vector<128xf32>
    %reduce_sum3A_34 = vector.multi_reduction <add>, %mul3A_32, %reduce_sum3A_33 [0] : vector<10000x128xf32> to vector<128xf32>
    %broadcast_in_dim3A_35 = vector.shape_cast %reduce_sum3A_34 : vector<128xf32> to vector<1x128xf32>
    %div3A_36 = arith.constant 1.000000e+04 : f32
    %div3A_37 = vector.broadcast %div3A_36 : f32 to vector<1x128xf32>
    %div3A_38 = arith.divf %broadcast_in_dim3A_35, %div3A_37 : vector<1x128xf32>
    %mul3A_39 = arith.mulf %div3A_31, %div3A_31 : vector<1x128xf32>
    %sub3A = arith.subf %div3A_38, %mul3A_39 : vector<1x128xf32>
    %sub3A_40 = vector.broadcast %div3A_31 : vector<1x128xf32> to vector<10000x128xf32>
    %sub3A_41 = arith.subf %add3A_22, %sub3A_40 : vector<10000x128xf32>
    %mul3A_42 = vector.broadcast %get3A_25 : vector<1x128xf32> to vector<10000x128xf32>
    %mul3A_43 = arith.mulf %mul3A_42, %sub3A_41 : vector<10000x128xf32>
    %add3A_44 = arith.constant 9.99999974E-6 : f32
    %add3A_45 = vector.broadcast %add3A_44 : f32 to vector<1x128xf32>
    %add3A_46 = arith.addf %sub3A, %add3A_45 : vector<1x128xf32>
    %rsqrt3A_47 = math.rsqrt %add3A_46 : vector<1x128xf32>
    %mul3A_48 = vector.broadcast %rsqrt3A_47 : vector<1x128xf32> to vector<10000x128xf32>
    %mul3A_49 = arith.mulf %mul3A_43, %mul3A_48 : vector<10000x128xf32>
    %add3A_50 = vector.broadcast %get3A_28 : vector<1x128xf32> to vector<10000x128xf32>
    %add3A_51 = arith.addf %mul3A_49, %add3A_50 : vector<10000x128xf32>
    %max3A = arith.constant 0.000000e+00 : f32
    %max3A_52 = vector.broadcast %max3A : f32 to vector<10000x128xf32>
    %max3A_53 = arith.maximumf %add3A_51, %max3A_52 : vector<10000x128xf32>
    %get3A_54 = arith.constant 0 : index
    %get3A_55 = arith.constant 0 : index
    %get3A_56 = vector.load %arg8[%get3A_54, %get3A_55] : memref<128x128xf32, #tpu.memory_space<vmem>>, vector<128x128xf32>
    %dot_general3A = arith.constant dense<0.000000e+00> : vector<10000x128xf32>
    %dot_general3A_57 = tpu.matmul %max3A_53, %get3A_56, %dot_general3A {dimension_numbers = #tpu.dot_dimension_numbers<[1], [0], [0], [1], [0, 0, 1, 1], [], []>, transpose_lhs_hint = false} : vector<10000x128xf32>, vector<128x128xf32>, vector<10000x128xf32> -> vector<10000x128xf32>
    %get3A_58 = arith.constant 0 : index
    %get3A_59 = arith.constant 0 : index
    %get3A_60 = vector.load %arg9[%get3A_58, %get3A_59] : memref<1x128xf32, #tpu.memory_space<vmem>>, vector<1x128xf32>
    %add3A_61 = vector.broadcast %get3A_60 : vector<1x128xf32> to vector<10000x128xf32>
    %add3A_62 = arith.addf %dot_general3A_57, %add3A_61 : vector<10000x128xf32>
    %get3A_63 = arith.constant 0 : index
    %get3A_64 = arith.constant 0 : index
    %get3A_65 = vector.load %arg10[%get3A_63, %get3A_64] : memref<1x128xf32, #tpu.memory_space<vmem>>, vector<1x128xf32>
    %get3A_66 = arith.constant 0 : index
    %get3A_67 = arith.constant 0 : index
    %get3A_68 = vector.load %arg11[%get3A_66, %get3A_67] : memref<1x128xf32, #tpu.memory_space<vmem>>, vector<1x128xf32>
    %reduce_sum3A_69 = arith.constant dense<0.000000e+00> : vector<128xf32>
    %reduce_sum3A_70 = vector.multi_reduction <add>, %add3A_62, %reduce_sum3A_69 [0] : vector<10000x128xf32> to vector<128xf32>
    %broadcast_in_dim3A_71 = vector.shape_cast %reduce_sum3A_70 : vector<128xf32> to vector<1x128xf32>
    %div3A_72 = arith.constant 1.000000e+04 : f32
    %div3A_73 = vector.broadcast %div3A_72 : f32 to vector<1x128xf32>
    %div3A_74 = arith.divf %broadcast_in_dim3A_71, %div3A_73 : vector<1x128xf32>
    %mul3A_75 = arith.mulf %add3A_62, %add3A_62 : vector<10000x128xf32>
    %reduce_sum3A_76 = arith.constant dense<0.000000e+00> : vector<128xf32>
    %reduce_sum3A_77 = vector.multi_reduction <add>, %mul3A_75, %reduce_sum3A_76 [0] : vector<10000x128xf32> to vector<128xf32>
    %broadcast_in_dim3A_78 = vector.shape_cast %reduce_sum3A_77 : vector<128xf32> to vector<1x128xf32>
    %div3A_79 = arith.constant 1.000000e+04 : f32
    %div3A_80 = vector.broadcast %div3A_79 : f32 to vector<1x128xf32>
    %div3A_81 = arith.divf %broadcast_in_dim3A_78, %div3A_80 : vector<1x128xf32>
    %mul3A_82 = arith.mulf %div3A_74, %div3A_74 : vector<1x128xf32>
    %sub3A_83 = arith.subf %div3A_81, %mul3A_82 : vector<1x128xf32>
    %sub3A_84 = vector.broadcast %div3A_74 : vector<1x128xf32> to vector<10000x128xf32>
    %sub3A_85 = arith.subf %add3A_62, %sub3A_84 : vector<10000x128xf32>
    %mul3A_86 = vector.broadcast %get3A_65 : vector<1x128xf32> to vector<10000x128xf32>
    %mul3A_87 = arith.mulf %mul3A_86, %sub3A_85 : vector<10000x128xf32>
    %add3A_88 = arith.constant 9.99999974E-6 : f32
    %add3A_89 = vector.broadcast %add3A_88 : f32 to vector<1x128xf32>
    %add3A_90 = arith.addf %sub3A_83, %add3A_89 : vector<1x128xf32>
    %rsqrt3A_91 = math.rsqrt %add3A_90 : vector<1x128xf32>
    %mul3A_92 = vector.broadcast %rsqrt3A_91 : vector<1x128xf32> to vector<10000x128xf32>
    %mul3A_93 = arith.mulf %mul3A_87, %mul3A_92 : vector<10000x128xf32>
    %add3A_94 = vector.broadcast %get3A_68 : vector<1x128xf32> to vector<10000x128xf32>
    %add3A_95 = arith.addf %mul3A_93, %add3A_94 : vector<10000x128xf32>
    %max3A_96 = arith.constant 0.000000e+00 : f32
    %max3A_97 = vector.broadcast %max3A_96 : f32 to vector<10000x128xf32>
    %max3A_98 = arith.maximumf %add3A_95, %max3A_97 : vector<10000x128xf32>
    %get3A_99 = arith.constant 0 : index
    %get3A_100 = arith.constant 0 : index
    %get3A_101 = vector.load %arg0[%get3A_99, %get3A_100] : memref<10000x128xf32, #tpu.memory_space<vmem>>, vector<10000x128xf32>
    %add3A_102 = arith.addf %max3A_98, %get3A_101 : vector<10000x128xf32>
    %swap3A = arith.constant 0 : index
    %swap3A_103 = arith.constant 0 : index
    %swap3A_104 = vector.load %arg12[%swap3A, %swap3A_103] : memref<10000x128xf32, #tpu.memory_space<vmem>>, vector<10000x128xf32>
    tpu.vector_store %arg12[%swap3A, %swap3A_103], %add3A_102 {strides = array<i32>} : memref<10000x128xf32, #tpu.memory_space<vmem>>, vector<10000x128xf32>,
    return
  }
}

</mosaic_0001>

<sc_bundles>
// kernel: kernel.10.cloned.1.call-start
scs
__scs_entry_jumppad:
0x0: {  	(pc) =	sbr.rel $0x88, $3  }
0x1: {  	(tag) =	ssettag $0x0;
	lr =	simm.s32 $0x1  }
0x2: {  	[smem:$0x3F81] =	sst lr;
	_ =	strace $0xD0000000  }
0x3: {  	_ = 	snop  }
0x4: {  	_ = 	snop  }
0x5: {  	_ = 	snop  }
0x6: {  	_ = 	snop  }
0x7: {  	_ = 	snop  }
__scs_overlays_trampoline_lowered:
0x8: {  	[smem:$0x3F90] =	sst s0  }
0x9: {  	[smem:$0x3F91] =	sst s1  }
0xa: {  	[smem:$0x3F92] =	sst s2  }
0xb: {  	[smem:$0x3F93] =	sst s3  }
0xc: {  	[smem:$0x3F94] =	sst s4  }
0xd: {  	[smem:$0x3F95] =	sst s5  }
0xe: {  	[smem:$0x3F96] =	sst s6  }
0xf: {  	[smem:$0x3F97] =	sst s7  }
0x10: {  	[smem:$0x3F98] =	sst s8  }
0x11: {  	[smem:$0x3F99] =	sst s9;
	s0 =	simm.s32 @!p0 $0x0  }
0x12: {  	s1 =	sld [smem:$0x3F7F];
	s0 =	simm.s32 @p0 $0x1  }
0x13: {  	[smem:$0x3F9A] =	sst s0;
	s0 =	simm.s32 @!p1 $0x0  }
0x14: {  	s2 =	sld [smem:$0x3F7E];
	s0 =	simm.s32 @p1 $0x1  }
0x15: {  	[smem:$0x3F9B] =	sst s0;
	s0 =	simm.s32 @!p2 $0x0  }
0x16: {  	s3 =	sld [smem:$0x3FDB];
	s0 =	simm.s32 @p2 $0x1  }
0x17: {  	s4 =	simm.s32 $0x1BF5;
	[smem:$0x3F9D] =	sst s0  }
0x18: {  	s0 =	sld [smem:$0x3F80];
	_ =	swait.ge [sflag:s4], $0x0  }
0x19: {  	s7 =	sld [smem:$0x3F81]  }
0x1a: {  	s8 =	sadd.s32 $0xFFFFE003, lr  }
0x1b: {  	s9 =	sadd.s32 $0xFFFFFEF7, lr;
	s5 =	simm.s32 $0xFFFFFFFF;
	p2 =	slt.u32 s8, $0xFFFFF086  }
0x1c: {  	p1 =	slt.u32 s9, $0xF7A;
	s5 =	simm.s32 @!p2 $0x0  }
0x1d: {  	s5 =	simm.s32 @p1 $0x1;
	p0 =	seq.s32 s7, s2  }
0x1e: {  	s7 =	smul.u32 @!p0 $0xF7A, s2;
	p2 =	seq.s32 @!p0 s5, $0x0  }
0x1f: {  	s9 =	smul.u32 $0xF7A, s1;
	s8 =	simm.s32 @!p0 $0x1BF5;
	p2 =	por !p2, p0  }
0x20: {  	[sflag:s8] =	ssyncset.s32 @!p0 $0xFFFFF086;
	s6 =	sadd.s32 @!p0 s3, s7;
	s7 =	simm.s32 @!p0 $0x108  }
0x21: {  	s3 =	sadd.s32 s3, s9;
	s6 =	sadd.s32 @!p0 $0x88, s6;
	s7 =	simm.s32 @p2 $0x1082  }
0x22: {  	[simem:s7], [sflag:s8] =	dma.local @!p0 [hbm:s6], $0xF7A  }
0x23: {  	s9 =	sor.u32 $0xD0000000, s2;
	s6 =	simm.s32 $0x108;
	_ =	swait.ge @!p0 [sflag:s8], $0x0  }
0x24: {  	s3 =	sadd.s32 $0x88, s3;
	s6 =	simm.s32 @!p1 $0x1082;
	[sflag:s4] =	ssyncset.s32 $0xFFFFF086  }
0x25: {  	[simem:s6], [sflag:s4] =	dma.local [hbm:s3], $0xF7A  }
0x26: {  	[smem:$0x3F81] =	sst s1;
	(tag) =	ssettag s2;
	_ =	strace s9  }
0x27: {  	s1 =	sld [smem:$0x3F91]  }
0x28: {  	s2 =	sld [smem:$0x3F92]  }
0x29: {  	s4 =	sld [smem:$0x3F94]  }
0x2a: {  	p0 =	seq.s32 s5, $0x0;
	s5 =	sld [smem:$0x3F95]  }
0x2b: {  	s6 =	sld [smem:$0x3F96]  }
0x2c: {  	s7 =	sld [smem:$0x3F97]  }
0x2d: {  	s3 =	simm.s32 $0x108;
	s8 =	sld [smem:$0x3F98]  }
0x2e: {  	s3 =	simm.s32 @!p0 $0x1082;
	s9 =	sld [smem:$0x3F99]  }
0x2f: {  	lr =	sadd.s32 s0, s3;
	s0 =	sld [smem:$0x3F90]  }
0x30: {  	s3 =	sld [smem:$0x3F93]  }
0x31: {  	[smem:$0x3F9C] =	sst s10  }
0x32: {  	s10 =	sld [smem:$0x3F9A];
	_ =	sdelay $0x3  }
0x33: {  	p0 =	seq.s32 s10, $0x1;
	s10 =	sld [smem:$0x3F9C];
	_ =	sdelay $0x3  }
0x34: {  	[smem:$0x3F9C] =	sst s10  }
0x35: {  	s10 =	sld [smem:$0x3F9B];
	_ =	sdelay $0x3  }
0x36: {  	p1 =	seq.s32 s10, $0x1;
	s10 =	sld [smem:$0x3F9C];
	_ =	sdelay $0x3  }
0x37: {  	[smem:$0x3F9C] =	sst s10  }
0x38: {  	s10 =	sld [smem:$0x3F9D]  }
0x39: {  	_ = 	snop;
	(pc) =	sbr.ind lr, $3  }
0x3a: {  	_ = 	snop  }
0x3b: {  	_ = 	snop  }
0x3c: {  	p2 =	seq.s32 s10, $0x1;
	s10 =	sld [smem:$0x3F9C]  }
0x3d: {  	_ =	shalt  }
0x3e: {  	_ =	shalt  }
0x3f: {  	_ =	shalt  }
0x40: {  	_ =	shalt  }
0x41: {  	_ =	shalt  }
0x42: {  	_ =	shalt  }
0x43: {  	_ =	shalt  }
0x44: {  	_ =	shalt  }
0x45: {  	_ =	shalt  }
0x46: {  	_ =	shalt  }
0x47: {  	_ =	shalt  }
0x48: {  	_ =	shalt  }
0x49: {  	_ =	shalt  }
0x4a: {  	_ =	shalt  }
0x4b: {  	_ =	shalt  }
0x4c: {  	_ =	shalt  }
0x4d: {  	_ =	shalt  }
0x4e: {  	_ =	shalt  }
0x4f: {  	_ =	shalt  }
0x50: {  	_ =	shalt  }
0x51: {  	_ =	shalt  }
0x52: {  	_ =	shalt  }
0x53: {  	_ =	shalt  }
0x54: {  	_ =	shalt  }
0x55: {  	_ =	shalt  }
0x56: {  	_ =	shalt  }
0x57: {  	_ =	shalt  }
0x58: {  	_ =	shalt  }
0x59: {  	_ =	shalt  }
0x5a: {  	_ =	shalt  }
0x5b: {  	_ =	shalt  }
0x5c: {  	_ =	shalt  }
0x5d: {  	_ =	shalt  }
0x5e: {  	_ =	shalt  }
0x5f: {  	_ =	shalt  }
0x60: {  	_ =	shalt  }
0x61: {  	_ =	shalt  }
0x62: {  	_ =	shalt  }
0x63: {  	_ =	shalt  }
0x64: {  	_ =	shalt  }
0x65: {  	_ =	shalt  }
0x66: {  	_ =	shalt  }
0x67: {  	_ =	shalt  }
0x68: {  	_ =	shalt  }
0x69: {  	_ =	shalt  }
0x6a: {  	_ =	shalt  }
0x6b: {  	_ =	shalt  }
0x6c: {  	_ =	shalt  }
0x6d: {  	_ =	shalt  }
0x6e: {  	_ =	shalt  }
0x6f: {  	_ =	shalt  }
0x70: {  	_ =	shalt  }
0x71: {  	_ =	shalt  }
0x72: {  	_ =	shalt  }
0x73: {  	_ =	shalt  }
0x74: {  	_ =	shalt  }
0x75: {  	_ =	shalt  }
0x76: {  	_ =	shalt  }
0x77: {  	_ =	shalt  }
0x78: {  	_ =	shalt  }
0x79: {  	_ =	shalt  }
0x7a: {  	_ =	shalt  }
0x7b: {  	_ =	shalt  }
0x7c: {  	_ =	shalt  }
0x7d: {  	_ =	shalt  }
0x7e: {  	_ =	shalt  }
0x7f: {  	_ =	shalt  }
0x80: {  	_ =	shalt  }
0x81: {  	_ =	shalt  }
0x82: {  	_ =	shalt  }
0x83: {  	_ =	shalt  }
0x84: {  	_ =	shalt  }
0x85: {  	_ =	shalt  }
0x86: {  	_ =	shalt  }
0x87: {  	_ =	shalt  }
.Lfunc_end0:
.L_simem_size_0:
called_computation_lowered:
.L_overlay_start_0:
0x88: {  	s2 =	sld [smem:$0x3FD9]  }
0x89: {  	s3 =	sld [smem:$0x3FFE];
	_ =	sdelay $0x1  }
0x8a: {  	s1 =	srdreg.scid  }
0x8b: {  	s0 =	sand.u32 $0x1, s1  }
0x8c: {  	s17 =	sshll.u32 s0, $0xA;
	s2 =	sadd.s32 s3, s2  }
0x8d: {  	s2 =	sadd.s32 s2, s17  }
0x8e: {  	[smem:$0x3FA8] =	sst s2  }
0x8f: {  	_ = 	snop  }
0x90: {  	s2 =	sld [smem:$0x3FD0];
	(tm) =	ssettm $0x1  }
0x91: {  	s18 =	sld [smem:$0x3FFB];
	_ =	sdelay $0x3  }
0x92: {  	_ =	strace s18  }
0x93: {  	s3 =	sld [smem:$0x3FFC];
	_ =	sdelay $0x3  }
0x94: {  	_ =	strace s3  }
0x95: {  	s3 =	sld [smem:$0x3FFD];
	_ =	sdelay $0x3  }
0x96: {  	_ =	strace s3  }
0x97: {  	_ =	strace $0x8FFFFFFF  }
0x98: {  	s19 =	sld [smem:$0x3FDB];
	_ =	sdelay $0x1  }
0x99: {  	s4 =	simm.s32 $_scs_section_size  }
0x9a: {  	s5 =	simm.s32 $_size__tile_overlayer_lowered;
	s6 =	simm.s32 $_tile_overlayer_lowered  }
0x9b: {  	s22 =	simm.s32 $0x1BFF;
	s21 =	sshll.u32 s6, $0x1;
	s3 =	sadd.s32 s4, s19  }
0x9c: {  	s7 =	simm.s32 $0x0;
	s20 =	sshll.u32 s5, $0x1;
	s5 =	sadd.s32 s21, s3  }
0x9d: {  	[timem:s7], [sflag:s22] =	dma.local [hbm:s5], s20  }
0x9e: {  	_ =	swait.ge [sflag:s22], s20  }
0x9f: {  	s4 =	ssub.s32 $0x0, s20;
	[sflag:s22] =	ssyncset.done $0x0  }
0xa0: {  	[sflag:s22] =	ssyncadd.s32 s4;
	_ =	sdelay $0x1  }
0xa1: {  	s23 =	simm.s32 $0x1B8B  }
0xa2: {  	_ =	swait.ge [sflag:s23], $0x1  }
0xa3: {  	[sflag:s23] =	ssyncset.done $0x0  }
0xa4: {  	s25 =	simm.s32 $0x1B8E;
	s24 =	sld [smem:$0x3FFE];
	[sflag:s23] =	ssyncadd.s32 $0xFFFFFFFF  }
0xa5: {  	s26 =	simm.s32 $execute0_lowered;
	[smem:$0x3FD2] =	sst s25  }
0xa6: {  	s5 =	sshll.u32 s26, $0x1;
	_ =	strace $0x80000046;
	[dreg:$0x1] =	wrdreg $0xFFFFFFFF  }
0xa7: {  	s28 =	simm.s32 $_size_execute0_lowered;
	s3 =	sadd.s32 s3, s5;
	[dreg:$0x0] =	wrdreg $0x0  }
0xa8: {  	s5 =	sshll.u32 s28, $0x1;
	[dreg:$0x2] =	wrdreg s3  }
0xa9: {  	[dreg:$0x3] =	wrdreg s5  }
0xaa: {  	[dreg:$0x4] =	wrdreg $0xC0  }
0xab: {  	_ =	task [dreg:s7], $0x5FFFF  }
0xac: {  	[dreg:$0x1] =	wrdreg $0xFFFFFFFF  }
0xad: {  	[dreg:$0x0] =	wrdreg $0x60  }
0xae: {  	[dreg:$0x2] =	wrdreg s24  }
0xaf: {  	[dreg:$0x3] =	wrdreg s2  }
0xb0: {  	[dreg:$0x4] =	wrdreg $0x40800  }
0xb1: {  	[dreg:$0x5] =	wrdreg $0x9  }
0xb2: {  	_ =	task.clear_ibuf [dreg:s7], $0x6FFFF;
	_ =	strace $0x90000046  }
0xb3: {  	s29 =	simm.s32 $0x9;
	_ =	strace $0x80000048  }
0xb4: {  	_ =	swait.ge [sflag:s29], $0x1  }
0xb5: {  	[sflag:s29] =	ssyncadd.s32 $0xFFFFFFFF  }
0xb6: {  	_ =	strace $0x90000048  }
0xb7: {  	_ =	sfence  }
0xb8: {  	s30 =	sld [smem:$0x0];
	_ =	sdelay $0x2  }
0xb9: {  	s31 =	sshll.u32 s1, $0xD;
	s1 =	sshrl.u32 s1, $0x2  }
0xba: {  	s3 =	sand.u32 $0x4000, s31;
	s1 =	sadd.s32 s1, s30  }
0xbb: {  	s0 =	sor.u32 s3, s0;
	s1 =	sshll.u32 s1, $0x11  }
0xbc: {  	s0 =	sor.u32 s1, s0  }
0xbd: {  	s0 =	sadd.s32 $0x8F2B, s0  }
0xbe: {  	[sflag:s0] =	ssyncadd.remote.s32 $0x1  }
0xbf: {  	_ =	sfence.sel $0xFFFF  }
0xc0: {  	[dreg:$0x0] =	wrdreg $0xFFFFFFFF;
	(pc) =	sbr.abs _section_cstart, $3  }
0xc1: {  	[dreg:$0x1] =	wrdreg $0xFFFFFFFF  }
0xc2: {  	_ =	task.clear_ibuf [dreg:s7], $0x2FFFF;
	_ =	strace $0x9FFFFFFF  }
0xc3: {  	(tm) =	ssettm $0x7FFFFFFF  }
tec
execute0_lowered:
.L_overlay_start_1:
0x0: {  	(tag) =	ssettag $0x1  }
0x1: {  	s3 =	rddreg [dreg:$0x0]  }
0x2: {  	s5 =	rddreg [dreg:$0x1]  }
0x3: {  	s1 =	rddreg [dreg:$0x2]  }
0x4: {  	s0 =	rddreg [dreg:$0x3]  }
0x5: {  	s2 =	simm.s32 $0x0;
	s6 =	stileid.u32;
	s4 =	srdreg.scid  }
0x6: {  	s11 =	simm.s32 $0x0;
	[smem:$0x7FF] =	sst s2;
	s7 =	sshll.u32 s6, $0xB  }
0x7: {  	s4 =	sand.u32 $0x1, s4;
	p0 =	sne.s32 s6, $0x0;
	_ =	strace $0x80000047  }
0x8: {  	s7 =	sadd.s32 s7, s3;
	s8 =	ssub.s32 $0x2, s4;
	s3 =	sadd.s32 $0x17000, s3  }
0x9: {  	s10 =	sshll.u32 s4, $0xF;
	s31 =	sshll.u32 s4, $0x4;
	s9 =	sshrl.u32 s8, $0x1  }
0xa: {  	s7 =	sadd.s32 s10, s7;
	s5 =	sadd.s32 s5, s31;
	s10 =	simm.s32 $0x4000  }
0xb: {  	s8 =	ssub.s32 s8, s9;
	s4 =	sadd.s32 $0x7000, s7;
	s7 =	simm.s32 $0x1  }
0xc: {  	v0 =	vimm.f32 $1.000000000e+00;
	s9 =	simm.s32 $0x50;
	s6 =	smax.u32 s8, $0x1;
	s8 =	sshrl.u32 @!p0 s1, $0x3  }
.LBB2_1:
0xd: {  	[tilespmem:s2], [sflag:$0x1] =	stream.linear.gather [hbm4b:s4+s2], $0x3E80, $0x38;
	[tilespmem:$0x42F8] =	vst v63  }
0xe: {  	_ =	swait.ge [sflag:s7], $0x3E80  }
0xf: {  	[sflag:s7] =	ssyncset.done $0x0  }
0x10: {  	[sflag:s7] =	ssyncadd.s32 $0xFFFFC180  }
0x11: {  	[tilespmem:$0x4000] =	vst v0  }
0x12: {  	[tilespmem:$0x4010] =	vst v0  }
0x13: {  	[tilespmem:$0x4020] =	vst v0  }
0x14: {  	[tilespmem:$0x4030] =	vst v0  }
0x15: {  	s12 =	simm.s32 @!p0 $0x1C01;
	[tilespmem:$0x4040] =	vst v0  }
0x16: {  	[spmem:s8], [sflag:s12] =	dma.local @!p0 [hbm:s3], $0x4F0  }
0x17: {  	s12 =	simm.s32 @!p0 $0x1  }
0x18: {  	_ =	swait.ge @!p0 [sflag:s12], $0x4F0  }
0x19: {  	[sflag:s12] =	ssyncset.done @!p0 $0x0  }
0x1a: {  	[sflag:s12] =	ssyncadd.s32 @!p0 $0xFFFFFB10  }
0x1b: {  	s31 =	simm.s32 $0x0;
	[bflag:$0x0] =	sbarrier.arrive $0xFFFF  }
0x1c: {  	[spmem:s1] =	stream.indirect.scatter.add.f32 [tilespmem:s10], [sflag:$0x1], $0x1, s31, s9, $0xb8;
	[tilespmem:$0x42F8] =	vst v63  }
0x1d: {  	_ =	swait.ge [sflag:s7], $0x50  }
0x1e: {  	s12 =	simm.s32 $0x200;
	[sflag:s7] =	ssyncset.done $0x0  }
.LBB2_2:
0x1f: {  	s13 =	sshra.s32 s12, $0x2;
	[sflag:s7] =	ssyncadd.s32 $0xFFFFFFB0;
	p1 =	sne.s32 s12, $0xF800  }
0x20: {  	[spmem:s1] =	stream.indirect.scatter.add.f32 [tilespmem:s10], [sflag:$0x1], $0x1, s13, s9, $0xb8;
	[tilespmem:$0x42F8] =	vst v63  }
.Ltmp0:
0x21: {  	_ = 	snop;
	(pc) =	sbr.rel @p1 .LBB2_2-.Ltmp0, $4  }
0x22: {  	_ = 	snop  }
0x23: {  	s12 =	sadd.s32 $0x200, s12  }
0x24: {  	_ =	swait.ge [sflag:s7], $0x50  }
0x25: {  	[sflag:s7] =	ssyncset.done $0x0  }
0x26: {  	[sflag:s7] =	ssyncadd.s32 $0xFFFFFFB0;
	s12 =	simm.s32 @!p0 $0x1;
	s11 =	sadd.s32 $0x1, s11  }
0x27: {  	s13 =	simm.s32 @!p0 $0x20;
	s14 =	simm.s32 @!p0 $0x10;
	p1 =	sne.s32 s11, s6  }
.Ltmp1:
0x28: {  	s15 =	simm.s32 @!p0 $0x1C01;
	[bflag:$0x0] =	sbarrier.arrive $0xFFFF;
	(pc) =	sbr.rel @p1 .LBB2_1-.Ltmp1, $4  }
0x29: {  	[hbm:s5@s13], [sflag:s15] =	dma.strided @!p0 [spmem:s8@s14], $0x4F0, s12, $0x10   }
0x2a: {  	_ =	swait.ge @!p0 [sflag:s12], $0x4F0  }
0x2b: {  	[sflag:s12] =	ssyncset.done @!p0 $0x0  }
0x2c: {  	[sflag:s12] =	ssyncadd.s32 @!p0 $0xFFFFFB10  }
0x2d: {  	_ =	sfence.sel $0x180000  }
0x2e: {  	[bflag:$0x0] =	sbarrier.arrive $0xFFFF  }
0x2f: {  	_ =	strace $0x90000047  }
0x30: {  	s0 =	sadd.s32 @!p0 $0x100000, s0;
	[bflag:$0x2] =	sbarrier.arrive $0xFFFF  }
0x31: {  	[sflag:s0] =	ssyncadd.tile.s32 @!p0 $0x1;
	_ =	shalt  }
.Lfunc_end2:
_tile_overlayer_lowered:
.L_overlay_start_2:
0x32: {  	(tag) =	ssettag $0x2  }
0x33: {  	s0 =	rddreg [dreg:$0x0];
	s2 =	stileid.u32  }
0x34: {  	s1 =	rddreg [dreg:$0x1];
	p0 =	sne.s32 s2, $0x0  }
0x35: {  	s3 =	rddreg [dreg:$0x2];
	[bflag:$0x3] =	sbarrier.arrive $0xFFFF;
	s2 =	simm.s32 @!p0 $0x1C01  }
0x36: {  	[timem:s3], [sflag:s2] =	dma.local @!p0 [hbm:s0], s1  }
0x37: {  	s0 =	simm.s32 @!p0 $0x1  }
0x38: {  	_ =	swait.ge @!p0 [sflag:s0], s1  }
0x39: {  	s1 =	ssub.s32 @!p0 $0x0, s1;
	[sflag:s0] =	ssyncset.done @!p0 $0x0  }
0x3a: {  	[sflag:s0] =	ssyncadd.s32 @!p0 s1  }
0x3b: {  	[bflag:$0x3] =	sbarrier.arrive $0xFFFF  }
0x3c: {  	_ =	shalt  }

// kernel: kernel.13.cloned.1.call-start
scs
__scs_entry_jumppad:
0x0: {  	(pc) =	sbr.rel $0x88, $3  }
0x1: {  	(tag) =	ssettag $0x0;
	lr =	simm.s32 $0x1  }
0x2: {  	[smem:$0x3F81] =	sst lr;
	_ =	strace $0xD0000000  }
0x3: {  	_ = 	snop  }
0x4: {  	_ = 	snop  }
0x5: {  	_ = 	snop  }
0x6: {  	_ = 	snop  }
0x7: {  	_ = 	snop  }
__scs_overlays_trampoline_lowered:
0x8: {  	[smem:$0x3F90] =	sst s0  }
0x9: {  	[smem:$0x3F91] =	sst s1  }
0xa: {  	[smem:$0x3F92] =	sst s2  }
0xb: {  	[smem:$0x3F93] =	sst s3  }
0xc: {  	[smem:$0x3F94] =	sst s4  }
0xd: {  	[smem:$0x3F95] =	sst s5  }
0xe: {  	[smem:$0x3F96] =	sst s6  }
0xf: {  	[smem:$0x3F97] =	sst s7  }
0x10: {  	[smem:$0x3F98] =	sst s8  }
0x11: {  	[smem:$0x3F99] =	sst s9;
	s0 =	simm.s32 @!p0 $0x0  }
0x12: {  	s1 =	sld [smem:$0x3F7F];
	s0 =	simm.s32 @p0 $0x1  }
0x13: {  	[smem:$0x3F9A] =	sst s0;
	s0 =	simm.s32 @!p1 $0x0  }
0x14: {  	s2 =	sld [smem:$0x3F7E];
	s0 =	simm.s32 @p1 $0x1  }
0x15: {  	[smem:$0x3F9B] =	sst s0;
	s0 =	simm.s32 @!p2 $0x0  }
0x16: {  	s3 =	sld [smem:$0x3FDB];
	s0 =	simm.s32 @p2 $0x1  }
0x17: {  	s4 =	simm.s32 $0x1BF5;
	[smem:$0x3F9D] =	sst s0  }
0x18: {  	s0 =	sld [smem:$0x3F80];
	_ =	swait.ge [sflag:s4], $0x0  }
0x19: {  	s7 =	sld [smem:$0x3F81]  }
0x1a: {  	s8 =	sadd.s32 $0xFFFFE003, lr  }
0x1b: {  	s9 =	sadd.s32 $0xFFFFFEF7, lr;
	s5 =	simm.s32 $0xFFFFFFFF;
	p2 =	slt.u32 s8, $0xFFFFF086  }
0x1c: {  	p1 =	slt.u32 s9, $0xF7A;
	s5 =	simm.s32 @!p2 $0x0  }
0x1d: {  	s5 =	simm.s32 @p1 $0x1;
	p0 =	seq.s32 s7, s2  }
0x1e: {  	s7 =	smul.u32 @!p0 $0xF7A, s2;
	p2 =	seq.s32 @!p0 s5, $0x0  }
0x1f: {  	s9 =	smul.u32 $0xF7A, s1;
	s8 =	simm.s32 @!p0 $0x1BF5;
	p2 =	por !p2, p0  }
0x20: {  	[sflag:s8] =	ssyncset.s32 @!p0 $0xFFFFF086;
	s6 =	sadd.s32 @!p0 s3, s7;
	s7 =	simm.s32 @!p0 $0x108  }
0x21: {  	s3 =	sadd.s32 s3, s9;
	s6 =	sadd.s32 @!p0 $0x88, s6;
	s7 =	simm.s32 @p2 $0x1082  }
0x22: {  	[simem:s7], [sflag:s8] =	dma.local @!p0 [hbm:s6], $0xF7A  }
0x23: {  	s9 =	sor.u32 $0xD0000000, s2;
	s6 =	simm.s32 $0x108;
	_ =	swait.ge @!p0 [sflag:s8], $0x0  }
0x24: {  	s3 =	sadd.s32 $0x88, s3;
	s6 =	simm.s32 @!p1 $0x1082;
	[sflag:s4] =	ssyncset.s32 $0xFFFFF086  }
0x25: {  	[simem:s6], [sflag:s4] =	dma.local [hbm:s3], $0xF7A  }
0x26: {  	[smem:$0x3F81] =	sst s1;
	(tag) =	ssettag s2;
	_ =	strace s9  }
0x27: {  	s1 =	sld [smem:$0x3F91]  }
0x28: {  	s2 =	sld [smem:$0x3F92]  }
0x29: {  	s4 =	sld [smem:$0x3F94]  }
0x2a: {  	p0 =	seq.s32 s5, $0x0;
	s5 =	sld [smem:$0x3F95]  }
0x2b: {  	s6 =	sld [smem:$0x3F96]  }
0x2c: {  	s7 =	sld [smem:$0x3F97]  }
0x2d: {  	s3 =	simm.s32 $0x108;
	s8 =	sld [smem:$0x3F98]  }
0x2e: {  	s3 =	simm.s32 @!p0 $0x1082;
	s9 =	sld [smem:$0x3F99]  }
0x2f: {  	lr =	sadd.s32 s0, s3;
	s0 =	sld [smem:$0x3F90]  }
0x30: {  	s3 =	sld [smem:$0x3F93]  }
0x31: {  	[smem:$0x3F9C] =	sst s10  }
0x32: {  	s10 =	sld [smem:$0x3F9A];
	_ =	sdelay $0x3  }
0x33: {  	p0 =	seq.s32 s10, $0x1;
	s10 =	sld [smem:$0x3F9C];
	_ =	sdelay $0x3  }
0x34: {  	[smem:$0x3F9C] =	sst s10  }
0x35: {  	s10 =	sld [smem:$0x3F9B];
	_ =	sdelay $0x3  }
0x36: {  	p1 =	seq.s32 s10, $0x1;
	s10 =	sld [smem:$0x3F9C];
	_ =	sdelay $0x3  }
0x37: {  	[smem:$0x3F9C] =	sst s10  }
0x38: {  	s10 =	sld [smem:$0x3F9D]  }
0x39: {  	_ = 	snop;
	(pc) =	sbr.ind lr, $3  }
0x3a: {  	_ = 	snop  }
0x3b: {  	_ = 	snop  }
0x3c: {  	p2 =	seq.s32 s10, $0x1;
	s10 =	sld [smem:$0x3F9C]  }
0x3d: {  	_ =	shalt  }
0x3e: {  	_ =	shalt  }
0x3f: {  	_ =	shalt  }
0x40: {  	_ =	shalt  }
0x41: {  	_ =	shalt  }
0x42: {  	_ =	shalt  }
0x43: {  	_ =	shalt  }
0x44: {  	_ =	shalt  }
0x45: {  	_ =	shalt  }
0x46: {  	_ =	shalt  }
0x47: {  	_ =	shalt  }
0x48: {  	_ =	shalt  }
0x49: {  	_ =	shalt  }
0x4a: {  	_ =	shalt  }
0x4b: {  	_ =	shalt  }
0x4c: {  	_ =	shalt  }
0x4d: {  	_ =	shalt  }
0x4e: {  	_ =	shalt  }
0x4f: {  	_ =	shalt  }
0x50: {  	_ =	shalt  }
0x51: {  	_ =	shalt  }
0x52: {  	_ =	shalt  }
0x53: {  	_ =	shalt  }
0x54: {  	_ =	shalt  }
0x55: {  	_ =	shalt  }
0x56: {  	_ =	shalt  }
0x57: {  	_ =	shalt  }
0x58: {  	_ =	shalt  }
0x59: {  	_ =	shalt  }
0x5a: {  	_ =	shalt  }
0x5b: {  	_ =	shalt  }
0x5c: {  	_ =	shalt  }
0x5d: {  	_ =	shalt  }
0x5e: {  	_ =	shalt  }
0x5f: {  	_ =	shalt  }
0x60: {  	_ =	shalt  }
0x61: {  	_ =	shalt  }
0x62: {  	_ =	shalt  }
0x63: {  	_ =	shalt  }
0x64: {  	_ =	shalt  }
0x65: {  	_ =	shalt  }
0x66: {  	_ =	shalt  }
0x67: {  	_ =	shalt  }
0x68: {  	_ =	shalt  }
0x69: {  	_ =	shalt  }
0x6a: {  	_ =	shalt  }
0x6b: {  	_ =	shalt  }
0x6c: {  	_ =	shalt  }
0x6d: {  	_ =	shalt  }
0x6e: {  	_ =	shalt  }
0x6f: {  	_ =	shalt  }
0x70: {  	_ =	shalt  }
0x71: {  	_ =	shalt  }
0x72: {  	_ =	shalt  }
0x73: {  	_ =	shalt  }
0x74: {  	_ =	shalt  }
0x75: {  	_ =	shalt  }
0x76: {  	_ =	shalt  }
0x77: {  	_ =	shalt  }
0x78: {  	_ =	shalt  }
0x79: {  	_ =	shalt  }
0x7a: {  	_ =	shalt  }
0x7b: {  	_ =	shalt  }
0x7c: {  	_ =	shalt  }
0x7d: {  	_ =	shalt  }
0x7e: {  	_ =	shalt  }
0x7f: {  	_ =	shalt  }
0x80: {  	_ =	shalt  }
0x81: {  	_ =	shalt  }
0x82: {  	_ =	shalt  }
0x83: {  	_ =	shalt  }
0x84: {  	_ =	shalt  }
0x85: {  	_ =	shalt  }
0x86: {  	_ =	shalt  }
0x87: {  	_ =	shalt  }
.Lfunc_end0:
.L_simem_size_0:
called_computation.1_lowered:
.L_overlay_start_0:
0x88: {  	s2 =	sld [smem:$0x3FD9]  }
0x89: {  	s3 =	sld [smem:$0x3FFE];
	_ =	sdelay $0x1  }
0x8a: {  	s1 =	srdreg.scid  }
0x8b: {  	s0 =	sand.u32 $0x1, s1  }
0x8c: {  	s17 =	sshll.u32 s0, $0xA;
	s2 =	sadd.s32 s3, s2  }
0x8d: {  	s2 =	sadd.s32 s2, s17  }
0x8e: {  	[smem:$0x3FA8] =	sst s2  }
0x8f: {  	_ = 	snop  }
0x90: {  	s2 =	sld [smem:$0x3FD0];
	(tm) =	ssettm $0x1  }
0x91: {  	s18 =	sld [smem:$0x3FFB];
	_ =	sdelay $0x3  }
0x92: {  	_ =	strace s18  }
0x93: {  	s3 =	sld [smem:$0x3FFC];
	_ =	sdelay $0x3  }
0x94: {  	_ =	strace s3  }
0x95: {  	s3 =	sld [smem:$0x3FFD];
	_ =	sdelay $0x3  }
0x96: {  	_ =	strace s3  }
0x97: {  	_ =	strace $0x8FFFFFFF  }
0x98: {  	s19 =	sld [smem:$0x3FDB];
	_ =	sdelay $0x1  }
0x99: {  	s4 =	simm.s32 $_scs_section_size  }
0x9a: {  	s5 =	simm.s32 $_size__tile_overlayer_lowered;
	s6 =	simm.s32 $_tile_overlayer_lowered  }
0x9b: {  	s22 =	simm.s32 $0x1BFF;
	s21 =	sshll.u32 s6, $0x1;
	s3 =	sadd.s32 s4, s19  }
0x9c: {  	s7 =	simm.s32 $0x0;
	s20 =	sshll.u32 s5, $0x1;
	s5 =	sadd.s32 s21, s3  }
0x9d: {  	[timem:s7], [sflag:s22] =	dma.local [hbm:s5], s20  }
0x9e: {  	_ =	swait.ge [sflag:s22], s20  }
0x9f: {  	s4 =	ssub.s32 $0x0, s20;
	[sflag:s22] =	ssyncset.done $0x0  }
0xa0: {  	[sflag:s22] =	ssyncadd.s32 s4;
	_ =	sdelay $0x1  }
0xa1: {  	s23 =	simm.s32 $0x1B8B  }
0xa2: {  	_ =	swait.ge [sflag:s23], $0x1  }
0xa3: {  	[sflag:s23] =	ssyncset.done $0x0  }
0xa4: {  	s25 =	simm.s32 $0x1B8E;
	s24 =	sld [smem:$0x3FFE];
	[sflag:s23] =	ssyncadd.s32 $0xFFFFFFFF  }
0xa5: {  	s26 =	simm.s32 $execute0_lowered;
	[smem:$0x3FD2] =	sst s25  }
0xa6: {  	s5 =	sshll.u32 s26, $0x1;
	_ =	strace $0x80000049;
	[dreg:$0x1] =	wrdreg $0xFFFFFFFF  }
0xa7: {  	s28 =	simm.s32 $_size_execute0_lowered;
	s3 =	sadd.s32 s3, s5;
	[dreg:$0x0] =	wrdreg $0x0  }
0xa8: {  	s5 =	sshll.u32 s28, $0x1;
	[dreg:$0x2] =	wrdreg s3  }
0xa9: {  	[dreg:$0x3] =	wrdreg s5  }
0xaa: {  	[dreg:$0x4] =	wrdreg $0xC0  }
0xab: {  	_ =	task [dreg:s7], $0x5FFFF  }
0xac: {  	[dreg:$0x1] =	wrdreg $0xFFFFFFFF  }
0xad: {  	[dreg:$0x0] =	wrdreg $0x60  }
0xae: {  	[dreg:$0x2] =	wrdreg s2  }
0xaf: {  	[dreg:$0x3] =	wrdreg s24  }
0xb0: {  	[dreg:$0x4] =	wrdreg $0xA8000  }
0xb1: {  	[dreg:$0x5] =	wrdreg $0x9  }
0xb2: {  	_ =	task.clear_ibuf [dreg:s7], $0x6FFFF;
	_ =	strace $0x90000049  }
0xb3: {  	s29 =	simm.s32 $0x9;
	_ =	strace $0x8000004B  }
0xb4: {  	_ =	swait.ge [sflag:s29], $0x1  }
0xb5: {  	[sflag:s29] =	ssyncadd.s32 $0xFFFFFFFF  }
0xb6: {  	_ =	strace $0x9000004B  }
0xb7: {  	_ =	sfence  }
0xb8: {  	s30 =	sld [smem:$0x0];
	_ =	sdelay $0x2  }
0xb9: {  	s31 =	sshll.u32 s1, $0xD;
	s1 =	sshrl.u32 s1, $0x2  }
0xba: {  	s3 =	sand.u32 $0x4000, s31;
	s1 =	sadd.s32 s1, s30  }
0xbb: {  	s0 =	sor.u32 s3, s0;
	s1 =	sshll.u32 s1, $0x11  }
0xbc: {  	s0 =	sor.u32 s1, s0  }
0xbd: {  	s0 =	sadd.s32 $0x8F2B, s0  }
0xbe: {  	[sflag:s0] =	ssyncadd.remote.s32 $0x1  }
0xbf: {  	_ =	sfence.sel $0xFFFF  }
0xc0: {  	[dreg:$0x0] =	wrdreg $0xFFFFFFFF;
	(pc) =	sbr.abs _section_cstart, $3  }
0xc1: {  	[dreg:$0x1] =	wrdreg $0xFFFFFFFF  }
0xc2: {  	_ =	task.clear_ibuf [dreg:s7], $0x2FFFF;
	_ =	strace $0x9FFFFFFF  }
0xc3: {  	(tm) =	ssettm $0x7FFFFFFF  }
tec
execute0_lowered:
.L_overlay_start_1:
0x0: {  	(tag) =	ssettag $0x1  }
0x1: {  	s1 =	rddreg [dreg:$0x0]  }
0x2: {  	s8 =	rddreg [dreg:$0x1]  }
0x3: {  	s3 =	rddreg [dreg:$0x2];
	s4 =	srdreg.scid  }
0x4: {  	s0 =	rddreg [dreg:$0x3];
	s2 =	stileid.u32  }
0x5: {  	s17 =	simm.s32 $0x50;
	s18 =	simm.s32 $0x8000;
	s19 =	simm.s32 $0x1  }
0x6: {  	s20 =	simm.s32 $0x0;
	s5 =	sand.u32 $0x1, s4;
	s26 =	smul.u32 $0x2780, s2  }
0x7: {  	s4 =	simm.s32 $0x0;
	s7 =	sshll.u32 s2, $0xB;
	s10 =	smul.u32 $0x4F000, s2  }
0x8: {  	s11 =	sadd.s32 $0x75A00, s8;
	s29 =	smul.u32 $0x13C00, s2;
	s14 =	sadd.s32 $0x128400, s3  }
0x9: {  	p0 =	seq.s32 s2, $0xF;
	s6 =	sshll.u32 s5, $0xF;
	[smem:$0x7FF] =	sst s4  }
0xa: {  	s9 =	ssub.s32 $0x2, s5;
	s13 =	smul.u32 $0x138800, s5;
	s14 =	sshrl.u32 @p0 s14, $0x3  }
0xb: {  	s15 =	sshll.u32 @!p0 s2, $0x6;
	s6 =	sor.u32 s7, s6;
	_ =	strace $0x8000004A  }
0xc: {  	s7 =	sadd.s32 s26, s8;
	s12 =	sshrl.u32 s9, $0x1;
	s28 =	sshrl.u32 s10, $0x2  }
0xd: {  	s15 =	sor.u32 @!p0 $0x1C02, s15;
	s6 =	sadd.s32 s6, s8;
	s12 =	ssub.s32 s9, s12  }
0xe: {  	s16 =	sadd.s32 s28, s3;
	s7 =	sadd.s32 $0x4E800, s7;
	s30 =	sadd.s32 s29, s13  }
0xf: {  	s31 =	sshrl.u32 s13, $0x3;
	s8 =	sadd.s32 $0x73880, s8;
	s13 =	simm.s32 $0x4000  }
0x10: {  	s5 =	sadd.s32 $0x17600, s6;
	s6 =	sadd.s32 $0x7000, s6;
	s9 =	sshrl.u32 s30, $0x3  }
0x11: {  	s10 =	sadd.s32 s11, s31;
	s16 =	sshrl.u32 @!p0 s16, $0x3;
	s9 =	sadd.s32 s11, s9  }
0x12: {  	s10 =	sadd.s32 $0x25080, s10;
	s11 =	smax.u32 s12, $0x1;
	s12 =	simm.s32 $0x2  }
.LBB2_1:
0x13: {  	[tilespmem:s4], [sflag:$0x2] =	stream.linear.gather [hbm4b:s5+s4], $0x3E80, $0x38;
	[tilespmem:$0x1E080] =	vst v63  }
0x14: {  	_ =	swait.ge [sflag:s12], $0x3E80  }
0x15: {  	[sflag:s12] =	ssyncset.done $0x0  }
0x16: {  	[sflag:s12] =	ssyncadd.s32 $0xFFFFC180  }
0x17: {  	[tilespmem:s13], [sflag:$0x2] =	stream.linear.gather [hbm4b:s6+s4], $0x3E80, $0x38;
	[tilespmem:$0x1E080] =	vst v63  }
0x18: {  	_ =	swait.ge [sflag:s12], $0x3E80  }
0x19: {  	[sflag:s12] =	ssyncset.done $0x0  }
0x1a: {  	s21 =	simm.s32 @p0 $0x1FC2;
	[sflag:s12] =	ssyncadd.s32 $0xFFFFC180  }
0x1b: {  	[spmem:s14], [sflag:s21] =	dma.local @p0 [hbm:s8], $0x2080  }
0x1c: {  	s21 =	simm.s32 @p0 $0x2  }
0x1d: {  	_ =	swait.ge @p0 [sflag:s21], $0x2080  }
0x1e: {  	[sflag:s21] =	ssyncset.done @p0 $0x0  }
0x1f: {  	[sflag:s21] =	ssyncadd.s32 @p0 $0xFFFFDF80;
	s21 =	simm.s32 @!p0 $0x2  }
0x20: {  	[spmem:s16], [sflag:s15] =	dma.local @!p0 [hbm:s7], $0x2780  }
0x21: {  	_ =	swait.ge @!p0 [sflag:s21], $0x2780  }
0x22: {  	[sflag:s21] =	ssyncset.done @!p0 $0x0  }
0x23: {  	[sflag:s21] =	ssyncadd.s32 @!p0 $0xFFFFD880  }
0x24: {  	s30 =	simm.s32 $0x0;
	[bflag:$0x0] =	sbarrier.arrive $0xFFFF  }
0x25: {  	[tilespmem:s18], [sflag:$0x1] =	stream.indirect.gather [hbm4b:s1+s17], $0x80, s30, s17, $0xb8;
	[tilespmem:$0x1E080] =	vst v63  }
0x26: {  	_ =	swait.ge [sflag:s19], $0x2800  }
0x27: {  	[sflag:s19] =	ssyncset.done $0x0  }
0x28: {  	s31 =	simm.s32 $0x4000;
	[sflag:s19] =	ssyncadd.s32 $0xFFFFD800  }
0x29: {  	[spmem:s3] =	stream.indirect.scatter.add.f32 [tilespmem:s18], [sflag:$0x2], $0x80, s31, s17, $0xb8;
	[tilespmem:$0x1E080] =	vst v63  }
0x2a: {  	_ =	swait.ge [sflag:s12], $0x2800  }
0x2b: {  	s22 =	simm.s32 $0x400;
	s21 =	simm.s32 $0x200;
	[sflag:s12] =	ssyncset.done $0x0  }
.LBB2_2:
0x2c: {  	s23 =	sshra.s32 s21, $0x2  }
0x2d: {  	[sflag:s12] =	ssyncadd.s32 $0xFFFFD800;
	s21 =	smov.u32 s22;
	s24 =	sadd.s32 $0x200, s22  }
0x2e: {  	[tilespmem:s18], [sflag:$0x1] =	stream.indirect.gather [hbm4b:s1+s17], $0x80, s23, s17, $0xb8;
	[tilespmem:$0x1E080] =	vst v63  }
0x2f: {  	p1 =	sne.s32 s22, $0xF800;
	_ =	swait.ge [sflag:s19], $0x2800  }
.Ltmp0:
0x30: {  	[sflag:s19] =	ssyncset.done $0x0;
	(pc) =	sbr.rel @p1 .LBB2_2-.Ltmp0, $4  }
0x31: {  	s22 =	sadd.s32 $0x4000, s23;
	[sflag:s19] =	ssyncadd.s32 $0xFFFFD800  }
0x32: {  	[spmem:s3] =	stream.indirect.scatter.add.f32 [tilespmem:s18], [sflag:$0x2], $0x80, s22, s17, $0xb8;
	[tilespmem:$0x1E080] =	vst v63  }
0x33: {  	_ =	swait.ge [sflag:s12], $0x2800  }
0x34: {  	s22 =	smov.u32 s24;
	[sflag:s12] =	ssyncset.done $0x0  }
0x35: {  	s21 =	sshra.s32 s21, $0x2;
	[sflag:s12] =	ssyncadd.s32 $0xFFFFD800  }
0x36: {  	[tilespmem:s18], [sflag:$0x1] =	stream.indirect.gather [hbm4b:s1+s17], $0x80, s21, s17, $0xb8;
	[tilespmem:$0x1E080] =	vst v63  }
0x37: {  	_ =	swait.ge [sflag:s19], $0x2800  }
0x38: {  	[sflag:s19] =	ssyncset.done $0x0  }
0x39: {  	s21 =	sadd.s32 $0x4000, s21;
	[sflag:s19] =	ssyncadd.s32 $0xFFFFD800  }
0x3a: {  	[spmem:s3] =	stream.indirect.scatter.add.f32 [tilespmem:s18], [sflag:$0x2], $0x80, s21, s17, $0xb8;
	[tilespmem:$0x1E080] =	vst v63  }
0x3b: {  	_ =	swait.ge [sflag:s12], $0x2800  }
0x3c: {  	[sflag:s12] =	ssyncset.done $0x0  }
0x3d: {  	[sflag:s12] =	ssyncadd.s32 $0xFFFFD800  }
0x3e: {  	s21 =	simm.s32 @p0 $0x1FC2;
	[bflag:$0x0] =	sbarrier.arrive $0xFFFF  }
0x3f: {  	[hbm:s10], [sflag:s21] =	dma.local @p0 [spmem:s14], $0x2080  }
0x40: {  	s21 =	simm.s32 @p0 $0x2  }
0x41: {  	s20 =	sadd.s32 $0x1, s20;
	_ =	swait.ge @p0 [sflag:s21], $0x2080  }
0x42: {  	p1 =	sne.s32 s20, s11;
	[sflag:s21] =	ssyncset.done @p0 $0x0  }
.Ltmp1:
0x43: {  	[sflag:s21] =	ssyncadd.s32 @p0 $0xFFFFDF80;
	s21 =	simm.s32 @!p0 $0x2;
	(pc) =	sbr.rel @p1 .LBB2_1-.Ltmp1, $4  }
0x44: {  	[hbm:s9], [sflag:s15] =	dma.local @!p0 [spmem:s16], $0x2780  }
0x45: {  	_ =	swait.ge @!p0 [sflag:s21], $0x2780  }
0x46: {  	[sflag:s21] =	ssyncset.done @!p0 $0x0  }
0x47: {  	[sflag:s21] =	ssyncadd.s32 @!p0 $0xFFFFD880  }
0x48: {  	_ =	sfence.sel $0x180000  }
0x49: {  	[bflag:$0x0] =	sbarrier.arrive $0xFFFF  }
0x4a: {  	p0 =	sne.s32 s2, $0x0;
	_ =	strace $0x9000004A  }
0x4b: {  	s0 =	sadd.s32 @!p0 $0x100000, s0;
	[bflag:$0x2] =	sbarrier.arrive $0xFFFF  }
0x4c: {  	[sflag:s0] =	ssyncadd.tile.s32 @!p0 $0x1;
	_ =	shalt  }
.Lfunc_end2:
_tile_overlayer_lowered:
.L_overlay_start_2:
0x4d: {  	(tag) =	ssettag $0x2  }
0x4e: {  	s0 =	rddreg [dreg:$0x0];
	s2 =	stileid.u32  }
0x4f: {  	s1 =	rddreg [dreg:$0x1];
	p0 =	sne.s32 s2, $0x0  }
0x50: {  	s3 =	rddreg [dreg:$0x2];
	[bflag:$0x3] =	sbarrier.arrive $0xFFFF;
	s2 =	simm.s32 @!p0 $0x1C02  }
0x51: {  	[timem:s3], [sflag:s2] =	dma.local @!p0 [hbm:s0], s1  }
0x52: {  	s0 =	simm.s32 @!p0 $0x2  }
0x53: {  	_ =	swait.ge @!p0 [sflag:s0], s1  }
0x54: {  	s1 =	ssub.s32 @!p0 $0x0, s1;
	[sflag:s0] =	ssyncset.done @!p0 $0x0  }
0x55: {  	[sflag:s0] =	ssyncadd.s32 @!p0 s1  }
0x56: {  	[bflag:$0x3] =	sbarrier.arrive $0xFFFF  }
0x57: {  	_ =	shalt  }

// kernel: kernel.16.cloned.1.call-start
scs
__scs_entry_jumppad:
0x0: {  	(pc) =	sbr.rel $0x88, $3  }
0x1: {  	(tag) =	ssettag $0x0;
	lr =	simm.s32 $0x1  }
0x2: {  	[smem:$0x3F81] =	sst lr;
	_ =	strace $0xD0000000  }
0x3: {  	_ = 	snop  }
0x4: {  	_ = 	snop  }
0x5: {  	_ = 	snop  }
0x6: {  	_ = 	snop  }
0x7: {  	_ = 	snop  }
__scs_overlays_trampoline_lowered:
0x8: {  	[smem:$0x3F90] =	sst s0  }
0x9: {  	[smem:$0x3F91] =	sst s1  }
0xa: {  	[smem:$0x3F92] =	sst s2  }
0xb: {  	[smem:$0x3F93] =	sst s3  }
0xc: {  	[smem:$0x3F94] =	sst s4  }
0xd: {  	[smem:$0x3F95] =	sst s5  }
0xe: {  	[smem:$0x3F96] =	sst s6  }
0xf: {  	[smem:$0x3F97] =	sst s7  }
0x10: {  	[smem:$0x3F98] =	sst s8  }
0x11: {  	[smem:$0x3F99] =	sst s9;
	s0 =	simm.s32 @!p0 $0x0  }
0x12: {  	s1 =	sld [smem:$0x3F7F];
	s0 =	simm.s32 @p0 $0x1  }
0x13: {  	[smem:$0x3F9A] =	sst s0;
	s0 =	simm.s32 @!p1 $0x0  }
0x14: {  	s2 =	sld [smem:$0x3F7E];
	s0 =	simm.s32 @p1 $0x1  }
0x15: {  	[smem:$0x3F9B] =	sst s0;
	s0 =	simm.s32 @!p2 $0x0  }
0x16: {  	s3 =	sld [smem:$0x3FDB];
	s0 =	simm.s32 @p2 $0x1  }
0x17: {  	s4 =	simm.s32 $0x1BF5;
	[smem:$0x3F9D] =	sst s0  }
0x18: {  	s0 =	sld [smem:$0x3F80];
	_ =	swait.ge [sflag:s4], $0x0  }
0x19: {  	s7 =	sld [smem:$0x3F81]  }
0x1a: {  	s8 =	sadd.s32 $0xFFFFE003, lr  }
0x1b: {  	s9 =	sadd.s32 $0xFFFFFEF7, lr;
	s5 =	simm.s32 $0xFFFFFFFF;
	p2 =	slt.u32 s8, $0xFFFFF086  }
0x1c: {  	p1 =	slt.u32 s9, $0xF7A;
	s5 =	simm.s32 @!p2 $0x0  }
0x1d: {  	s5 =	simm.s32 @p1 $0x1;
	p0 =	seq.s32 s7, s2  }
0x1e: {  	s7 =	smul.u32 @!p0 $0xF7A, s2;
	p2 =	seq.s32 @!p0 s5, $0x0  }
0x1f: {  	s9 =	smul.u32 $0xF7A, s1;
	s8 =	simm.s32 @!p0 $0x1BF5;
	p2 =	por !p2, p0  }
0x20: {  	[sflag:s8] =	ssyncset.s32 @!p0 $0xFFFFF086;
	s6 =	sadd.s32 @!p0 s3, s7;
	s7 =	simm.s32 @!p0 $0x108  }
0x21: {  	s3 =	sadd.s32 s3, s9;
	s6 =	sadd.s32 @!p0 $0x88, s6;
	s7 =	simm.s32 @p2 $0x1082  }
0x22: {  	[simem:s7], [sflag:s8] =	dma.local @!p0 [hbm:s6], $0xF7A  }
0x23: {  	s9 =	sor.u32 $0xD0000000, s2;
	s6 =	simm.s32 $0x108;
	_ =	swait.ge @!p0 [sflag:s8], $0x0  }
0x24: {  	s3 =	sadd.s32 $0x88, s3;
	s6 =	simm.s32 @!p1 $0x1082;
	[sflag:s4] =	ssyncset.s32 $0xFFFFF086  }
0x25: {  	[simem:s6], [sflag:s4] =	dma.local [hbm:s3], $0xF7A  }
0x26: {  	[smem:$0x3F81] =	sst s1;
	(tag) =	ssettag s2;
	_ =	strace s9  }
0x27: {  	s1 =	sld [smem:$0x3F91]  }
0x28: {  	s2 =	sld [smem:$0x3F92]  }
0x29: {  	s4 =	sld [smem:$0x3F94]  }
0x2a: {  	p0 =	seq.s32 s5, $0x0;
	s5 =	sld [smem:$0x3F95]  }
0x2b: {  	s6 =	sld [smem:$0x3F96]  }
0x2c: {  	s7 =	sld [smem:$0x3F97]  }
0x2d: {  	s3 =	simm.s32 $0x108;
	s8 =	sld [smem:$0x3F98]  }
0x2e: {  	s3 =	simm.s32 @!p0 $0x1082;
	s9 =	sld [smem:$0x3F99]  }
0x2f: {  	lr =	sadd.s32 s0, s3;
	s0 =	sld [smem:$0x3F90]  }
0x30: {  	s3 =	sld [smem:$0x3F93]  }
0x31: {  	[smem:$0x3F9C] =	sst s10  }
0x32: {  	s10 =	sld [smem:$0x3F9A];
	_ =	sdelay $0x3  }
0x33: {  	p0 =	seq.s32 s10, $0x1;
	s10 =	sld [smem:$0x3F9C];
	_ =	sdelay $0x3  }
0x34: {  	[smem:$0x3F9C] =	sst s10  }
0x35: {  	s10 =	sld [smem:$0x3F9B];
	_ =	sdelay $0x3  }
0x36: {  	p1 =	seq.s32 s10, $0x1;
	s10 =	sld [smem:$0x3F9C];
	_ =	sdelay $0x3  }
0x37: {  	[smem:$0x3F9C] =	sst s10  }
0x38: {  	s10 =	sld [smem:$0x3F9D]  }
0x39: {  	_ = 	snop;
	(pc) =	sbr.ind lr, $3  }
0x3a: {  	_ = 	snop  }
0x3b: {  	_ = 	snop  }
0x3c: {  	p2 =	seq.s32 s10, $0x1;
	s10 =	sld [smem:$0x3F9C]  }
0x3d: {  	_ =	shalt  }
0x3e: {  	_ =	shalt  }
0x3f: {  	_ =	shalt  }
0x40: {  	_ =	shalt  }
0x41: {  	_ =	shalt  }
0x42: {  	_ =	shalt  }
0x43: {  	_ =	shalt  }
0x44: {  	_ =	shalt  }
0x45: {  	_ =	shalt  }
0x46: {  	_ =	shalt  }
0x47: {  	_ =	shalt  }
0x48: {  	_ =	shalt  }
0x49: {  	_ =	shalt  }
0x4a: {  	_ =	shalt  }
0x4b: {  	_ =	shalt  }
0x4c: {  	_ =	shalt  }
0x4d: {  	_ =	shalt  }
0x4e: {  	_ =	shalt  }
0x4f: {  	_ =	shalt  }
0x50: {  	_ =	shalt  }
0x51: {  	_ =	shalt  }
0x52: {  	_ =	shalt  }
0x53: {  	_ =	shalt  }
0x54: {  	_ =	shalt  }
0x55: {  	_ =	shalt  }
0x56: {  	_ =	shalt  }
0x57: {  	_ =	shalt  }
0x58: {  	_ =	shalt  }
0x59: {  	_ =	shalt  }
0x5a: {  	_ =	shalt  }
0x5b: {  	_ =	shalt  }
0x5c: {  	_ =	shalt  }
0x5d: {  	_ =	shalt  }
0x5e: {  	_ =	shalt  }
0x5f: {  	_ =	shalt  }
0x60: {  	_ =	shalt  }
0x61: {  	_ =	shalt  }
0x62: {  	_ =	shalt  }
0x63: {  	_ =	shalt  }
0x64: {  	_ =	shalt  }
0x65: {  	_ =	shalt  }
0x66: {  	_ =	shalt  }
0x67: {  	_ =	shalt  }
0x68: {  	_ =	shalt  }
0x69: {  	_ =	shalt  }
0x6a: {  	_ =	shalt  }
0x6b: {  	_ =	shalt  }
0x6c: {  	_ =	shalt  }
0x6d: {  	_ =	shalt  }
0x6e: {  	_ =	shalt  }
0x6f: {  	_ =	shalt  }
0x70: {  	_ =	shalt  }
0x71: {  	_ =	shalt  }
0x72: {  	_ =	shalt  }
0x73: {  	_ =	shalt  }
0x74: {  	_ =	shalt  }
0x75: {  	_ =	shalt  }
0x76: {  	_ =	shalt  }
0x77: {  	_ =	shalt  }
0x78: {  	_ =	shalt  }
0x79: {  	_ =	shalt  }
0x7a: {  	_ =	shalt  }
0x7b: {  	_ =	shalt  }
0x7c: {  	_ =	shalt  }
0x7d: {  	_ =	shalt  }
0x7e: {  	_ =	shalt  }
0x7f: {  	_ =	shalt  }
0x80: {  	_ =	shalt  }
0x81: {  	_ =	shalt  }
0x82: {  	_ =	shalt  }
0x83: {  	_ =	shalt  }
0x84: {  	_ =	shalt  }
0x85: {  	_ =	shalt  }
0x86: {  	_ =	shalt  }
0x87: {  	_ =	shalt  }
.Lfunc_end0:
.L_simem_size_0:
called_computation.2_lowered:
.L_overlay_start_0:
0x88: {  	s2 =	sld [smem:$0x3FD9]  }
0x89: {  	s3 =	sld [smem:$0x3FFE];
	_ =	sdelay $0x1  }
0x8a: {  	s1 =	srdreg.scid  }
0x8b: {  	s0 =	sand.u32 $0x1, s1  }
0x8c: {  	s17 =	sshll.u32 s0, $0xA;
	s2 =	sadd.s32 s3, s2  }
0x8d: {  	s2 =	sadd.s32 s2, s17  }
0x8e: {  	[smem:$0x3FA8] =	sst s2  }
0x8f: {  	_ = 	snop  }
0x90: {  	s2 =	sld [smem:$0x3FD0];
	(tm) =	ssettm $0x1  }
0x91: {  	s18 =	sld [smem:$0x3FFB];
	_ =	sdelay $0x3  }
0x92: {  	_ =	strace s18  }
0x93: {  	s3 =	sld [smem:$0x3FFC];
	_ =	sdelay $0x3  }
0x94: {  	_ =	strace s3  }
0x95: {  	s3 =	sld [smem:$0x3FFD];
	_ =	sdelay $0x3  }
0x96: {  	_ =	strace s3  }
0x97: {  	_ =	strace $0x8FFFFFFF  }
0x98: {  	s19 =	sld [smem:$0x3FDB];
	_ =	sdelay $0x1  }
0x99: {  	s4 =	simm.s32 $_scs_section_size  }
0x9a: {  	s5 =	simm.s32 $_size__tile_overlayer_lowered;
	s6 =	simm.s32 $_tile_overlayer_lowered  }
0x9b: {  	s22 =	simm.s32 $0x1BFF;
	s21 =	sshll.u32 s6, $0x1;
	s3 =	sadd.s32 s4, s19  }
0x9c: {  	s7 =	simm.s32 $0x0;
	s20 =	sshll.u32 s5, $0x1;
	s5 =	sadd.s32 s21, s3  }
0x9d: {  	[timem:s7], [sflag:s22] =	dma.local [hbm:s5], s20  }
0x9e: {  	_ =	swait.ge [sflag:s22], s20  }
0x9f: {  	s4 =	ssub.s32 $0x0, s20;
	[sflag:s22] =	ssyncset.done $0x0  }
0xa0: {  	[sflag:s22] =	ssyncadd.s32 s4;
	_ =	sdelay $0x1  }
0xa1: {  	s23 =	simm.s32 $0x1B8B  }
0xa2: {  	_ =	swait.ge [sflag:s23], $0x1  }
0xa3: {  	[sflag:s23] =	ssyncset.done $0x0  }
0xa4: {  	s25 =	simm.s32 $0x1B8E;
	s24 =	sld [smem:$0x3FFE];
	[sflag:s23] =	ssyncadd.s32 $0xFFFFFFFF  }
0xa5: {  	s26 =	simm.s32 $execute0_lowered;
	[smem:$0x3FD2] =	sst s25  }
0xa6: {  	s5 =	sshll.u32 s26, $0x1;
	_ =	strace $0x8000004C;
	[dreg:$0x1] =	wrdreg $0xFFFFFFFF  }
0xa7: {  	s28 =	simm.s32 $_size_execute0_lowered;
	s3 =	sadd.s32 s3, s5;
	[dreg:$0x0] =	wrdreg $0x0  }
0xa8: {  	s5 =	sshll.u32 s28, $0x1;
	[dreg:$0x2] =	wrdreg s3  }
0xa9: {  	[dreg:$0x3] =	wrdreg s5  }
0xaa: {  	[dreg:$0x4] =	wrdreg $0xC0  }
0xab: {  	_ =	task [dreg:s7], $0x5FFFF  }
0xac: {  	[dreg:$0x1] =	wrdreg $0xFFFFFFFF  }
0xad: {  	[dreg:$0x0] =	wrdreg $0x60  }
0xae: {  	[dreg:$0x2] =	wrdreg s2  }
0xaf: {  	[dreg:$0x3] =	wrdreg s24  }
0xb0: {  	[dreg:$0x4] =	wrdreg $0xA8000  }
0xb1: {  	[dreg:$0x5] =	wrdreg $0x9  }
0xb2: {  	_ =	task.clear_ibuf [dreg:s7], $0x6FFFF;
	_ =	strace $0x9000004C  }
0xb3: {  	s29 =	simm.s32 $0x9;
	_ =	strace $0x8000004E  }
0xb4: {  	_ =	swait.ge [sflag:s29], $0x1  }
0xb5: {  	[sflag:s29] =	ssyncadd.s32 $0xFFFFFFFF  }
0xb6: {  	_ =	strace $0x9000004E  }
0xb7: {  	_ =	sfence  }
0xb8: {  	s30 =	sld [smem:$0x0];
	_ =	sdelay $0x2  }
0xb9: {  	s31 =	sshll.u32 s1, $0xD;
	s1 =	sshrl.u32 s1, $0x2  }
0xba: {  	s3 =	sand.u32 $0x4000, s31;
	s1 =	sadd.s32 s1, s30  }
0xbb: {  	s0 =	sor.u32 s3, s0;
	s1 =	sshll.u32 s1, $0x11  }
0xbc: {  	s0 =	sor.u32 s1, s0  }
0xbd: {  	s0 =	sadd.s32 $0x8F2B, s0  }
0xbe: {  	[sflag:s0] =	ssyncadd.remote.s32 $0x1  }
0xbf: {  	_ =	sfence.sel $0xFFFF  }
0xc0: {  	[dreg:$0x0] =	wrdreg $0xFFFFFFFF;
	(pc) =	sbr.abs _section_cstart, $3  }
0xc1: {  	[dreg:$0x1] =	wrdreg $0xFFFFFFFF  }
0xc2: {  	_ =	task.clear_ibuf [dreg:s7], $0x2FFFF;
	_ =	strace $0x9FFFFFFF  }
0xc3: {  	(tm) =	ssettm $0x7FFFFFFF  }
tec
execute0_lowered:
.L_overlay_start_1:
0x0: {  	(tag) =	ssettag $0x1  }
0x1: {  	s1 =	rddreg [dreg:$0x0]  }
0x2: {  	s8 =	rddreg [dreg:$0x1]  }
0x3: {  	s3 =	rddreg [dreg:$0x2];
	s4 =	srdreg.scid  }
0x4: {  	s0 =	rddreg [dreg:$0x3];
	s2 =	stileid.u32  }
0x5: {  	s17 =	simm.s32 $0x50;
	s18 =	simm.s32 $0x8000;
	s19 =	simm.s32 $0x1  }
0x6: {  	s20 =	simm.s32 $0x0;
	s5 =	sand.u32 $0x1, s4;
	s26 =	smul.u32 $0x2780, s2  }
0x7: {  	s4 =	simm.s32 $0x0;
	s7 =	sshll.u32 s2, $0xB;
	s10 =	smul.u32 $0x4F000, s2  }
0x8: {  	s11 =	sadd.s32 $0x75A00, s8;
	s29 =	smul.u32 $0x13C00, s2;
	s14 =	sadd.s32 $0x128400, s3  }
0x9: {  	p0 =	seq.s32 s2, $0xF;
	s6 =	sshll.u32 s5, $0xF;
	[smem:$0x7FF] =	sst s4  }
0xa: {  	s9 =	ssub.s32 $0x2, s5;
	s13 =	smul.u32 $0x138800, s5;
	s14 =	sshrl.u32 @p0 s14, $0x3  }
0xb: {  	s15 =	sshll.u32 @!p0 s2, $0x6;
	s6 =	sor.u32 s7, s6;
	_ =	strace $0x8000004D  }
0xc: {  	s7 =	sadd.s32 s26, s8;
	s12 =	sshrl.u32 s9, $0x1;
	s28 =	sshrl.u32 s10, $0x2  }
0xd: {  	s15 =	sor.u32 @!p0 $0x1C02, s15;
	s6 =	sadd.s32 s6, s8;
	s12 =	ssub.s32 s9, s12  }
0xe: {  	s16 =	sadd.s32 s28, s3;
	s7 =	sadd.s32 $0x4E800, s7;
	s30 =	sadd.s32 s29, s13  }
0xf: {  	s31 =	sshrl.u32 s13, $0x3;
	s8 =	sadd.s32 $0x73880, s8;
	s13 =	simm.s32 $0x4000  }
0x10: {  	s5 =	sadd.s32 $0x17600, s6;
	s6 =	sadd.s32 $0x7000, s6;
	s9 =	sshrl.u32 s30, $0x3  }
0x11: {  	s10 =	sadd.s32 s11, s31;
	s16 =	sshrl.u32 @!p0 s16, $0x3;
	s9 =	sadd.s32 s11, s9  }
0x12: {  	s10 =	sadd.s32 $0x25080, s10;
	s11 =	smax.u32 s12, $0x1;
	s12 =	simm.s32 $0x2  }
.LBB2_1:
0x13: {  	[tilespmem:s4], [sflag:$0x2] =	stream.linear.gather [hbm4b:s5+s4], $0x3E80, $0x38;
	[tilespmem:$0x1E080] =	vst v63  }
0x14: {  	_ =	swait.ge [sflag:s12], $0x3E80  }
0x15: {  	[sflag:s12] =	ssyncset.done $0x0  }
0x16: {  	[sflag:s12] =	ssyncadd.s32 $0xFFFFC180  }
0x17: {  	[tilespmem:s13], [sflag:$0x2] =	stream.linear.gather [hbm4b:s6+s4], $0x3E80, $0x38;
	[tilespmem:$0x1E080] =	vst v63  }
0x18: {  	_ =	swait.ge [sflag:s12], $0x3E80  }
0x19: {  	[sflag:s12] =	ssyncset.done $0x0  }
0x1a: {  	s21 =	simm.s32 @p0 $0x1FC2;
	[sflag:s12] =	ssyncadd.s32 $0xFFFFC180  }
0x1b: {  	[spmem:s14], [sflag:s21] =	dma.local @p0 [hbm:s8], $0x2080  }
0x1c: {  	s21 =	simm.s32 @p0 $0x2  }
0x1d: {  	_ =	swait.ge @p0 [sflag:s21], $0x2080  }
0x1e: {  	[sflag:s21] =	ssyncset.done @p0 $0x0  }
0x1f: {  	[sflag:s21] =	ssyncadd.s32 @p0 $0xFFFFDF80;
	s21 =	simm.s32 @!p0 $0x2  }
0x20: {  	[spmem:s16], [sflag:s15] =	dma.local @!p0 [hbm:s7], $0x2780  }
0x21: {  	_ =	swait.ge @!p0 [sflag:s21], $0x2780  }
0x22: {  	[sflag:s21] =	ssyncset.done @!p0 $0x0  }
0x23: {  	[sflag:s21] =	ssyncadd.s32 @!p0 $0xFFFFD880  }
0x24: {  	s30 =	simm.s32 $0x0;
	[bflag:$0x0] =	sbarrier.arrive $0xFFFF  }
0x25: {  	[tilespmem:s18], [sflag:$0x1] =	stream.indirect.gather [hbm4b:s1+s17], $0x80, s30, s17, $0xb8;
	[tilespmem:$0x1E080] =	vst v63  }
0x26: {  	_ =	swait.ge [sflag:s19], $0x2800  }
0x27: {  	[sflag:s19] =	ssyncset.done $0x0  }
0x28: {  	s31 =	simm.s32 $0x4000;
	[sflag:s19] =	ssyncadd.s32 $0xFFFFD800  }
0x29: {  	[spmem:s3] =	stream.indirect.scatter.add.f32 [tilespmem:s18], [sflag:$0x2], $0x80, s31, s17, $0xb8;
	[tilespmem:$0x1E080] =	vst v63  }
0x2a: {  	_ =	swait.ge [sflag:s12], $0x2800  }
0x2b: {  	s22 =	simm.s32 $0x400;
	s21 =	simm.s32 $0x200;
	[sflag:s12] =	ssyncset.done $0x0  }
.LBB2_2:
0x2c: {  	s23 =	sshra.s32 s21, $0x2  }
0x2d: {  	[sflag:s12] =	ssyncadd.s32 $0xFFFFD800;
	s21 =	smov.u32 s22;
	s24 =	sadd.s32 $0x200, s22  }
0x2e: {  	[tilespmem:s18], [sflag:$0x1] =	stream.indirect.gather [hbm4b:s1+s17], $0x80, s23, s17, $0xb8;
	[tilespmem:$0x1E080] =	vst v63  }
0x2f: {  	p1 =	sne.s32 s22, $0xF800;
	_ =	swait.ge [sflag:s19], $0x2800  }
.Ltmp0:
0x30: {  	[sflag:s19] =	ssyncset.done $0x0;
	(pc) =	sbr.rel @p1 .LBB2_2-.Ltmp0, $4  }
0x31: {  	s22 =	sadd.s32 $0x4000, s23;
	[sflag:s19] =	ssyncadd.s32 $0xFFFFD800  }
0x32: {  	[spmem:s3] =	stream.indirect.scatter.add.f32 [tilespmem:s18], [sflag:$0x2], $0x80, s22, s17, $0xb8;
	[tilespmem:$0x1E080] =	vst v63  }
0x33: {  	_ =	swait.ge [sflag:s12], $0x2800  }
0x34: {  	s22 =	smov.u32 s24;
	[sflag:s12] =	ssyncset.done $0x0  }
0x35: {  	s21 =	sshra.s32 s21, $0x2;
	[sflag:s12] =	ssyncadd.s32 $0xFFFFD800  }
0x36: {  	[tilespmem:s18], [sflag:$0x1] =	stream.indirect.gather [hbm4b:s1+s17], $0x80, s21, s17, $0xb8;
	[tilespmem:$0x1E080] =	vst v63  }
0x37: {  	_ =	swait.ge [sflag:s19], $0x2800  }
0x38: {  	[sflag:s19] =	ssyncset.done $0x0  }
0x39: {  	s21 =	sadd.s32 $0x4000, s21;
	[sflag:s19] =	ssyncadd.s32 $0xFFFFD800  }
0x3a: {  	[spmem:s3] =	stream.indirect.scatter.add.f32 [tilespmem:s18], [sflag:$0x2], $0x80, s21, s17, $0xb8;
	[tilespmem:$0x1E080] =	vst v63  }
0x3b: {  	_ =	swait.ge [sflag:s12], $0x2800  }
0x3c: {  	[sflag:s12] =	ssyncset.done $0x0  }
0x3d: {  	[sflag:s12] =	ssyncadd.s32 $0xFFFFD800  }
0x3e: {  	s21 =	simm.s32 @p0 $0x1FC2;
	[bflag:$0x0] =	sbarrier.arrive $0xFFFF  }
0x3f: {  	[hbm:s10], [sflag:s21] =	dma.local @p0 [spmem:s14], $0x2080  }
0x40: {  	s21 =	simm.s32 @p0 $0x2  }
0x41: {  	s20 =	sadd.s32 $0x1, s20;
	_ =	swait.ge @p0 [sflag:s21], $0x2080  }
0x42: {  	p1 =	sne.s32 s20, s11;
	[sflag:s21] =	ssyncset.done @p0 $0x0  }
.Ltmp1:
0x43: {  	[sflag:s21] =	ssyncadd.s32 @p0 $0xFFFFDF80;
	s21 =	simm.s32 @!p0 $0x2;
	(pc) =	sbr.rel @p1 .LBB2_1-.Ltmp1, $4  }
0x44: {  	[hbm:s9], [sflag:s15] =	dma.local @!p0 [spmem:s16], $0x2780  }
0x45: {  	_ =	swait.ge @!p0 [sflag:s21], $0x2780  }
0x46: {  	[sflag:s21] =	ssyncset.done @!p0 $0x0  }
0x47: {  	[sflag:s21] =	ssyncadd.s32 @!p0 $0xFFFFD880  }
0x48: {  	_ =	sfence.sel $0x180000  }
0x49: {  	[bflag:$0x0] =	sbarrier.arrive $0xFFFF  }
0x4a: {  	p0 =	sne.s32 s2, $0x0;
	_ =	strace $0x9000004D  }
0x4b: {  	s0 =	sadd.s32 @!p0 $0x100000, s0;
	[bflag:$0x2] =	sbarrier.arrive $0xFFFF  }
0x4c: {  	[sflag:s0] =	ssyncadd.tile.s32 @!p0 $0x1;
	_ =	shalt  }
.Lfunc_end2:
_tile_overlayer_lowered:
.L_overlay_start_2:
0x4d: {  	(tag) =	ssettag $0x2  }
0x4e: {  	s0 =	rddreg [dreg:$0x0];
	s2 =	stileid.u32  }
0x4f: {  	s1 =	rddreg [dreg:$0x1];
	p0 =	sne.s32 s2, $0x0  }
0x50: {  	s3 =	rddreg [dreg:$0x2];
	[bflag:$0x3] =	sbarrier.arrive $0xFFFF;
	s2 =	simm.s32 @!p0 $0x1C02  }
0x51: {  	[timem:s3], [sflag:s2] =	dma.local @!p0 [hbm:s0], s1  }
0x52: {  	s0 =	simm.s32 @!p0 $0x2  }
0x53: {  	_ =	swait.ge @!p0 [sflag:s0], s1  }
0x54: {  	s1 =	ssub.s32 @!p0 $0x0, s1;
	[sflag:s0] =	ssyncset.done @!p0 $0x0  }
0x55: {  	[sflag:s0] =	ssyncadd.s32 @!p0 s1  }
0x56: {  	[bflag:$0x3] =	sbarrier.arrive $0xFFFF  }
0x57: {  	_ =	shalt  }

// kernel: kernel.19.cloned.1.call-start
scs
__scs_entry_jumppad:
0x0: {  	(pc) =	sbr.rel $0x88, $3  }
0x1: {  	(tag) =	ssettag $0x0;
	lr =	simm.s32 $0x1  }
0x2: {  	[smem:$0x3F81] =	sst lr;
	_ =	strace $0xD0000000  }
0x3: {  	_ = 	snop  }
0x4: {  	_ = 	snop  }
0x5: {  	_ = 	snop  }
0x6: {  	_ = 	snop  }
0x7: {  	_ = 	snop  }
__scs_overlays_trampoline_lowered:
0x8: {  	[smem:$0x3F90] =	sst s0  }
0x9: {  	[smem:$0x3F91] =	sst s1  }
0xa: {  	[smem:$0x3F92] =	sst s2  }
0xb: {  	[smem:$0x3F93] =	sst s3  }
0xc: {  	[smem:$0x3F94] =	sst s4  }
0xd: {  	[smem:$0x3F95] =	sst s5  }
0xe: {  	[smem:$0x3F96] =	sst s6  }
0xf: {  	[smem:$0x3F97] =	sst s7  }
0x10: {  	[smem:$0x3F98] =	sst s8  }
0x11: {  	[smem:$0x3F99] =	sst s9;
	s0 =	simm.s32 @!p0 $0x0  }
0x12: {  	s1 =	sld [smem:$0x3F7F];
	s0 =	simm.s32 @p0 $0x1  }
0x13: {  	[smem:$0x3F9A] =	sst s0;
	s0 =	simm.s32 @!p1 $0x0  }
0x14: {  	s2 =	sld [smem:$0x3F7E];
	s0 =	simm.s32 @p1 $0x1  }
0x15: {  	[smem:$0x3F9B] =	sst s0;
	s0 =	simm.s32 @!p2 $0x0  }
0x16: {  	s3 =	sld [smem:$0x3FDB];
	s0 =	simm.s32 @p2 $0x1  }
0x17: {  	s4 =	simm.s32 $0x1BF5;
	[smem:$0x3F9D] =	sst s0  }
0x18: {  	s0 =	sld [smem:$0x3F80];
	_ =	swait.ge [sflag:s4], $0x0  }
0x19: {  	s7 =	sld [smem:$0x3F81]  }
0x1a: {  	s8 =	sadd.s32 $0xFFFFE003, lr  }
0x1b: {  	s9 =	sadd.s32 $0xFFFFFEF7, lr;
	s5 =	simm.s32 $0xFFFFFFFF;
	p2 =	slt.u32 s8, $0xFFFFF086  }
0x1c: {  	p1 =	slt.u32 s9, $0xF7A;
	s5 =	simm.s32 @!p2 $0x0  }
0x1d: {  	s5 =	simm.s32 @p1 $0x1;
	p0 =	seq.s32 s7, s2  }
0x1e: {  	s7 =	smul.u32 @!p0 $0xF7A, s2;
	p2 =	seq.s32 @!p0 s5, $0x0  }
0x1f: {  	s9 =	smul.u32 $0xF7A, s1;
	s8 =	simm.s32 @!p0 $0x1BF5;
	p2 =	por !p2, p0  }
0x20: {  	[sflag:s8] =	ssyncset.s32 @!p0 $0xFFFFF086;
	s6 =	sadd.s32 @!p0 s3, s7;
	s7 =	simm.s32 @!p0 $0x108  }
0x21: {  	s3 =	sadd.s32 s3, s9;
	s6 =	sadd.s32 @!p0 $0x88, s6;
	s7 =	simm.s32 @p2 $0x1082  }
0x22: {  	[simem:s7], [sflag:s8] =	dma.local @!p0 [hbm:s6], $0xF7A  }
0x23: {  	s9 =	sor.u32 $0xD0000000, s2;
	s6 =	simm.s32 $0x108;
	_ =	swait.ge @!p0 [sflag:s8], $0x0  }
0x24: {  	s3 =	sadd.s32 $0x88, s3;
	s6 =	simm.s32 @!p1 $0x1082;
	[sflag:s4] =	ssyncset.s32 $0xFFFFF086  }
0x25: {  	[simem:s6], [sflag:s4] =	dma.local [hbm:s3], $0xF7A  }
0x26: {  	[smem:$0x3F81] =	sst s1;
	(tag) =	ssettag s2;
	_ =	strace s9  }
0x27: {  	s1 =	sld [smem:$0x3F91]  }
0x28: {  	s2 =	sld [smem:$0x3F92]  }
0x29: {  	s4 =	sld [smem:$0x3F94]  }
0x2a: {  	p0 =	seq.s32 s5, $0x0;
	s5 =	sld [smem:$0x3F95]  }
0x2b: {  	s6 =	sld [smem:$0x3F96]  }
0x2c: {  	s7 =	sld [smem:$0x3F97]  }
0x2d: {  	s3 =	simm.s32 $0x108;
	s8 =	sld [smem:$0x3F98]  }
0x2e: {  	s3 =	simm.s32 @!p0 $0x1082;
	s9 =	sld [smem:$0x3F99]  }
0x2f: {  	lr =	sadd.s32 s0, s3;
	s0 =	sld [smem:$0x3F90]  }
0x30: {  	s3 =	sld [smem:$0x3F93]  }
0x31: {  	[smem:$0x3F9C] =	sst s10  }
0x32: {  	s10 =	sld [smem:$0x3F9A];
	_ =	sdelay $0x3  }
0x33: {  	p0 =	seq.s32 s10, $0x1;
	s10 =	sld [smem:$0x3F9C];
	_ =	sdelay $0x3  }
0x34: {  	[smem:$0x3F9C] =	sst s10  }
0x35: {  	s10 =	sld [smem:$0x3F9B];
	_ =	sdelay $0x3  }
0x36: {  	p1 =	seq.s32 s10, $0x1;
	s10 =	sld [smem:$0x3F9C];
	_ =	sdelay $0x3  }
0x37: {  	[smem:$0x3F9C] =	sst s10  }
0x38: {  	s10 =	sld [smem:$0x3F9D]  }
0x39: {  	_ = 	snop;
	(pc) =	sbr.ind lr, $3  }
0x3a: {  	_ = 	snop  }
0x3b: {  	_ = 	snop  }
0x3c: {  	p2 =	seq.s32 s10, $0x1;
	s10 =	sld [smem:$0x3F9C]  }
0x3d: {  	_ =	shalt  }
0x3e: {  	_ =	shalt  }
0x3f: {  	_ =	shalt  }
0x40: {  	_ =	shalt  }
0x41: {  	_ =	shalt  }
0x42: {  	_ =	shalt  }
0x43: {  	_ =	shalt  }
0x44: {  	_ =	shalt  }
0x45: {  	_ =	shalt  }
0x46: {  	_ =	shalt  }
0x47: {  	_ =	shalt  }
0x48: {  	_ =	shalt  }
0x49: {  	_ =	shalt  }
0x4a: {  	_ =	shalt  }
0x4b: {  	_ =	shalt  }
0x4c: {  	_ =	shalt  }
0x4d: {  	_ =	shalt  }
0x4e: {  	_ =	shalt  }
0x4f: {  	_ =	shalt  }
0x50: {  	_ =	shalt  }
0x51: {  	_ =	shalt  }
0x52: {  	_ =	shalt  }
0x53: {  	_ =	shalt  }
0x54: {  	_ =	shalt  }
0x55: {  	_ =	shalt  }
0x56: {  	_ =	shalt  }
0x57: {  	_ =	shalt  }
0x58: {  	_ =	shalt  }
0x59: {  	_ =	shalt  }
0x5a: {  	_ =	shalt  }
0x5b: {  	_ =	shalt  }
0x5c: {  	_ =	shalt  }
0x5d: {  	_ =	shalt  }
0x5e: {  	_ =	shalt  }
0x5f: {  	_ =	shalt  }
0x60: {  	_ =	shalt  }
0x61: {  	_ =	shalt  }
0x62: {  	_ =	shalt  }
0x63: {  	_ =	shalt  }
0x64: {  	_ =	shalt  }
0x65: {  	_ =	shalt  }
0x66: {  	_ =	shalt  }
0x67: {  	_ =	shalt  }
0x68: {  	_ =	shalt  }
0x69: {  	_ =	shalt  }
0x6a: {  	_ =	shalt  }
0x6b: {  	_ =	shalt  }
0x6c: {  	_ =	shalt  }
0x6d: {  	_ =	shalt  }
0x6e: {  	_ =	shalt  }
0x6f: {  	_ =	shalt  }
0x70: {  	_ =	shalt  }
0x71: {  	_ =	shalt  }
0x72: {  	_ =	shalt  }
0x73: {  	_ =	shalt  }
0x74: {  	_ =	shalt  }
0x75: {  	_ =	shalt  }
0x76: {  	_ =	shalt  }
0x77: {  	_ =	shalt  }
0x78: {  	_ =	shalt  }
0x79: {  	_ =	shalt  }
0x7a: {  	_ =	shalt  }
0x7b: {  	_ =	shalt  }
0x7c: {  	_ =	shalt  }
0x7d: {  	_ =	shalt  }
0x7e: {  	_ =	shalt  }
0x7f: {  	_ =	shalt  }
0x80: {  	_ =	shalt  }
0x81: {  	_ =	shalt  }
0x82: {  	_ =	shalt  }
0x83: {  	_ =	shalt  }
0x84: {  	_ =	shalt  }
0x85: {  	_ =	shalt  }
0x86: {  	_ =	shalt  }
0x87: {  	_ =	shalt  }
.Lfunc_end0:
.L_simem_size_0:
called_computation.3_lowered:
.L_overlay_start_0:
0x88: {  	s2 =	sld [smem:$0x3FD9]  }
0x89: {  	s3 =	sld [smem:$0x3FFE];
	_ =	sdelay $0x1  }
0x8a: {  	s1 =	srdreg.scid  }
0x8b: {  	s0 =	sand.u32 $0x1, s1  }
0x8c: {  	s17 =	sshll.u32 s0, $0xA;
	s2 =	sadd.s32 s3, s2  }
0x8d: {  	s2 =	sadd.s32 s2, s17  }
0x8e: {  	[smem:$0x3FA8] =	sst s2  }
0x8f: {  	_ = 	snop  }
0x90: {  	s2 =	sld [smem:$0x3FD0];
	(tm) =	ssettm $0x1  }
0x91: {  	s18 =	sld [smem:$0x3FFB];
	_ =	sdelay $0x3  }
0x92: {  	_ =	strace s18  }
0x93: {  	s3 =	sld [smem:$0x3FFC];
	_ =	sdelay $0x3  }
0x94: {  	_ =	strace s3  }
0x95: {  	s3 =	sld [smem:$0x3FFD];
	_ =	sdelay $0x3  }
0x96: {  	_ =	strace s3  }
0x97: {  	_ =	strace $0x8FFFFFFF  }
0x98: {  	s19 =	sld [smem:$0x3FDB];
	_ =	sdelay $0x1  }
0x99: {  	s4 =	simm.s32 $_scs_section_size  }
0x9a: {  	s5 =	simm.s32 $_size__tile_overlayer_lowered;
	s6 =	simm.s32 $_tile_overlayer_lowered  }
0x9b: {  	s22 =	simm.s32 $0x1BFF;
	s21 =	sshll.u32 s6, $0x1;
	s3 =	sadd.s32 s4, s19  }
0x9c: {  	s7 =	simm.s32 $0x0;
	s20 =	sshll.u32 s5, $0x1;
	s5 =	sadd.s32 s21, s3  }
0x9d: {  	[timem:s7], [sflag:s22] =	dma.local [hbm:s5], s20  }
0x9e: {  	_ =	swait.ge [sflag:s22], s20  }
0x9f: {  	s4 =	ssub.s32 $0x0, s20;
	[sflag:s22] =	ssyncset.done $0x0  }
0xa0: {  	[sflag:s22] =	ssyncadd.s32 s4;
	_ =	sdelay $0x1  }
0xa1: {  	s23 =	simm.s32 $0x1B8B  }
0xa2: {  	_ =	swait.ge [sflag:s23], $0x1  }
0xa3: {  	[sflag:s23] =	ssyncset.done $0x0  }
0xa4: {  	s25 =	simm.s32 $0x1B8E;
	s24 =	sld [smem:$0x3FFE];
	[sflag:s23] =	ssyncadd.s32 $0xFFFFFFFF  }
0xa5: {  	s26 =	simm.s32 $execute0_lowered;
	[smem:$0x3FD2] =	sst s25  }
0xa6: {  	s5 =	sshll.u32 s26, $0x1;
	_ =	strace $0x8000004F;
	[dreg:$0x1] =	wrdreg $0xFFFFFFFF  }
0xa7: {  	s28 =	simm.s32 $_size_execute0_lowered;
	s3 =	sadd.s32 s3, s5;
	[dreg:$0x0] =	wrdreg $0x0  }
0xa8: {  	s5 =	sshll.u32 s28, $0x1;
	[dreg:$0x2] =	wrdreg s3  }
0xa9: {  	[dreg:$0x3] =	wrdreg s5  }
0xaa: {  	[dreg:$0x4] =	wrdreg $0xC0  }
0xab: {  	_ =	task [dreg:s7], $0x5FFFF  }
0xac: {  	[dreg:$0x1] =	wrdreg $0xFFFFFFFF  }
0xad: {  	[dreg:$0x0] =	wrdreg $0x60  }
0xae: {  	[dreg:$0x2] =	wrdreg s2  }
0xaf: {  	[dreg:$0x3] =	wrdreg s24  }
0xb0: {  	[dreg:$0x4] =	wrdreg $0xA8000  }
0xb1: {  	[dreg:$0x5] =	wrdreg $0x9  }
0xb2: {  	_ =	task.clear_ibuf [dreg:s7], $0x6FFFF;
	_ =	strace $0x9000004F  }
0xb3: {  	s29 =	simm.s32 $0x9;
	_ =	strace $0x80000051  }
0xb4: {  	_ =	swait.ge [sflag:s29], $0x1  }
0xb5: {  	[sflag:s29] =	ssyncadd.s32 $0xFFFFFFFF  }
0xb6: {  	_ =	strace $0x90000051  }
0xb7: {  	_ =	sfence  }
0xb8: {  	s30 =	sld [smem:$0x0];
	_ =	sdelay $0x2  }
0xb9: {  	s31 =	sshll.u32 s1, $0xD;
	s1 =	sshrl.u32 s1, $0x2  }
0xba: {  	s3 =	sand.u32 $0x4000, s31;
	s1 =	sadd.s32 s1, s30  }
0xbb: {  	s0 =	sor.u32 s3, s0;
	s1 =	sshll.u32 s1, $0x11  }
0xbc: {  	s0 =	sor.u32 s1, s0  }
0xbd: {  	s0 =	sadd.s32 $0x8F2B, s0  }
0xbe: {  	[sflag:s0] =	ssyncadd.remote.s32 $0x1  }
0xbf: {  	_ =	sfence.sel $0xFFFF  }
0xc0: {  	[dreg:$0x0] =	wrdreg $0xFFFFFFFF;
	(pc) =	sbr.abs _section_cstart, $3  }
0xc1: {  	[dreg:$0x1] =	wrdreg $0xFFFFFFFF  }
0xc2: {  	_ =	task.clear_ibuf [dreg:s7], $0x2FFFF;
	_ =	strace $0x9FFFFFFF  }
0xc3: {  	(tm) =	ssettm $0x7FFFFFFF  }
tec
execute0_lowered:
.L_overlay_start_1:
0x0: {  	(tag) =	ssettag $0x1  }
0x1: {  	s1 =	rddreg [dreg:$0x0]  }
0x2: {  	s8 =	rddreg [dreg:$0x1]  }
0x3: {  	s3 =	rddreg [dreg:$0x2];
	s4 =	srdreg.scid  }
0x4: {  	s0 =	rddreg [dreg:$0x3];
	s2 =	stileid.u32  }
0x5: {  	s17 =	simm.s32 $0x50;
	s18 =	simm.s32 $0x8000;
	s19 =	simm.s32 $0x1  }
0x6: {  	s20 =	simm.s32 $0x0;
	s5 =	sand.u32 $0x1, s4;
	s26 =	smul.u32 $0x2780, s2  }
0x7: {  	s4 =	simm.s32 $0x0;
	s7 =	sshll.u32 s2, $0xB;
	s10 =	smul.u32 $0x4F000, s2  }
0x8: {  	s11 =	sadd.s32 $0x75A00, s8;
	s29 =	smul.u32 $0x13C00, s2;
	s14 =	sadd.s32 $0x128400, s3  }
0x9: {  	p0 =	seq.s32 s2, $0xF;
	s6 =	sshll.u32 s5, $0xF;
	[smem:$0x7FF] =	sst s4  }
0xa: {  	s9 =	ssub.s32 $0x2, s5;
	s13 =	smul.u32 $0x138800, s5;
	s14 =	sshrl.u32 @p0 s14, $0x3  }
0xb: {  	s15 =	sshll.u32 @!p0 s2, $0x6;
	s6 =	sor.u32 s7, s6;
	_ =	strace $0x80000050  }
0xc: {  	s7 =	sadd.s32 s26, s8;
	s12 =	sshrl.u32 s9, $0x1;
	s28 =	sshrl.u32 s10, $0x2  }
0xd: {  	s15 =	sor.u32 @!p0 $0x1C02, s15;
	s6 =	sadd.s32 s6, s8;
	s12 =	ssub.s32 s9, s12  }
0xe: {  	s16 =	sadd.s32 s28, s3;
	s7 =	sadd.s32 $0x4E800, s7;
	s30 =	sadd.s32 s29, s13  }
0xf: {  	s31 =	sshrl.u32 s13, $0x3;
	s8 =	sadd.s32 $0x73880, s8;
	s13 =	simm.s32 $0x4000  }
0x10: {  	s5 =	sadd.s32 $0x17600, s6;
	s6 =	sadd.s32 $0x7000, s6;
	s9 =	sshrl.u32 s30, $0x3  }
0x11: {  	s10 =	sadd.s32 s11, s31;
	s16 =	sshrl.u32 @!p0 s16, $0x3;
	s9 =	sadd.s32 s11, s9  }
0x12: {  	s10 =	sadd.s32 $0x25080, s10;
	s11 =	smax.u32 s12, $0x1;
	s12 =	simm.s32 $0x2  }
.LBB2_1:
0x13: {  	[tilespmem:s4], [sflag:$0x2] =	stream.linear.gather [hbm4b:s5+s4], $0x3E80, $0x38;
	[tilespmem:$0x1E080] =	vst v63  }
0x14: {  	_ =	swait.ge [sflag:s12], $0x3E80  }
0x15: {  	[sflag:s12] =	ssyncset.done $0x0  }
0x16: {  	[sflag:s12] =	ssyncadd.s32 $0xFFFFC180  }
0x17: {  	[tilespmem:s13], [sflag:$0x2] =	stream.linear.gather [hbm4b:s6+s4], $0x3E80, $0x38;
	[tilespmem:$0x1E080] =	vst v63  }
0x18: {  	_ =	swait.ge [sflag:s12], $0x3E80  }
0x19: {  	[sflag:s12] =	ssyncset.done $0x0  }
0x1a: {  	s21 =	simm.s32 @p0 $0x1FC2;
	[sflag:s12] =	ssyncadd.s32 $0xFFFFC180  }
0x1b: {  	[spmem:s14], [sflag:s21] =	dma.local @p0 [hbm:s8], $0x2080  }
0x1c: {  	s21 =	simm.s32 @p0 $0x2  }
0x1d: {  	_ =	swait.ge @p0 [sflag:s21], $0x2080  }
0x1e: {  	[sflag:s21] =	ssyncset.done @p0 $0x0  }
0x1f: {  	[sflag:s21] =	ssyncadd.s32 @p0 $0xFFFFDF80;
	s21 =	simm.s32 @!p0 $0x2  }
0x20: {  	[spmem:s16], [sflag:s15] =	dma.local @!p0 [hbm:s7], $0x2780  }
0x21: {  	_ =	swait.ge @!p0 [sflag:s21], $0x2780  }
0x22: {  	[sflag:s21] =	ssyncset.done @!p0 $0x0  }
0x23: {  	[sflag:s21] =	ssyncadd.s32 @!p0 $0xFFFFD880  }
0x24: {  	s30 =	simm.s32 $0x0;
	[bflag:$0x0] =	sbarrier.arrive $0xFFFF  }
0x25: {  	[tilespmem:s18], [sflag:$0x1] =	stream.indirect.gather [hbm4b:s1+s17], $0x80, s30, s17, $0xb8;
	[tilespmem:$0x1E080] =	vst v63  }
0x26: {  	_ =	swait.ge [sflag:s19], $0x2800  }
0x27: {  	[sflag:s19] =	ssyncset.done $0x0  }
0x28: {  	s31 =	simm.s32 $0x4000;
	[sflag:s19] =	ssyncadd.s32 $0xFFFFD800  }
0x29: {  	[spmem:s3] =	stream.indirect.scatter.add.f32 [tilespmem:s18], [sflag:$0x2], $0x80, s31, s17, $0xb8;
	[tilespmem:$0x1E080] =	vst v63  }
0x2a: {  	_ =	swait.ge [sflag:s12], $0x2800  }
0x2b: {  	s22 =	simm.s32 $0x400;
	s21 =	simm.s32 $0x200;
	[sflag:s12] =	ssyncset.done $0x0  }
.LBB2_2:
0x2c: {  	s23 =	sshra.s32 s21, $0x2  }
0x2d: {  	[sflag:s12] =	ssyncadd.s32 $0xFFFFD800;
	s21 =	smov.u32 s22;
	s24 =	sadd.s32 $0x200, s22  }
0x2e: {  	[tilespmem:s18], [sflag:$0x1] =	stream.indirect.gather [hbm4b:s1+s17], $0x80, s23, s17, $0xb8;
	[tilespmem:$0x1E080] =	vst v63  }
0x2f: {  	p1 =	sne.s32 s22, $0xF800;
	_ =	swait.ge [sflag:s19], $0x2800  }
.Ltmp0:
0x30: {  	[sflag:s19] =	ssyncset.done $0x0;
	(pc) =	sbr.rel @p1 .LBB2_2-.Ltmp0, $4  }
0x31: {  	s22 =	sadd.s32 $0x4000, s23;
	[sflag:s19] =	ssyncadd.s32 $0xFFFFD800  }
0x32: {  	[spmem:s3] =	stream.indirect.scatter.add.f32 [tilespmem:s18], [sflag:$0x2], $0x80, s22, s17, $0xb8;
	[tilespmem:$0x1E080] =	vst v63  }
0x33: {  	_ =	swait.ge [sflag:s12], $0x2800  }
0x34: {  	s22 =	smov.u32 s24;
	[sflag:s12] =	ssyncset.done $0x0  }
0x35: {  	s21 =	sshra.s32 s21, $0x2;
	[sflag:s12] =	ssyncadd.s32 $0xFFFFD800  }
0x36: {  	[tilespmem:s18], [sflag:$0x1] =	stream.indirect.gather [hbm4b:s1+s17], $0x80, s21, s17, $0xb8;
	[tilespmem:$0x1E080] =	vst v63  }
0x37: {  	_ =	swait.ge [sflag:s19], $0x2800  }
0x38: {  	[sflag:s19] =	ssyncset.done $0x0  }
0x39: {  	s21 =	sadd.s32 $0x4000, s21;
	[sflag:s19] =	ssyncadd.s32 $0xFFFFD800  }
0x3a: {  	[spmem:s3] =	stream.indirect.scatter.add.f32 [tilespmem:s18], [sflag:$0x2], $0x80, s21, s17, $0xb8;
	[tilespmem:$0x1E080] =	vst v63  }
0x3b: {  	_ =	swait.ge [sflag:s12], $0x2800  }
0x3c: {  	[sflag:s12] =	ssyncset.done $0x0  }
0x3d: {  	[sflag:s12] =	ssyncadd.s32 $0xFFFFD800  }
0x3e: {  	s21 =	simm.s32 @p0 $0x1FC2;
	[bflag:$0x0] =	sbarrier.arrive $0xFFFF  }
0x3f: {  	[hbm:s10], [sflag:s21] =	dma.local @p0 [spmem:s14], $0x2080  }
0x40: {  	s21 =	simm.s32 @p0 $0x2  }
0x41: {  	s20 =	sadd.s32 $0x1, s20;
	_ =	swait.ge @p0 [sflag:s21], $0x2080  }
0x42: {  	p1 =	sne.s32 s20, s11;
	[sflag:s21] =	ssyncset.done @p0 $0x0  }
.Ltmp1:
0x43: {  	[sflag:s21] =	ssyncadd.s32 @p0 $0xFFFFDF80;
	s21 =	simm.s32 @!p0 $0x2;
	(pc) =	sbr.rel @p1 .LBB2_1-.Ltmp1, $4  }
0x44: {  	[hbm:s9], [sflag:s15] =	dma.local @!p0 [spmem:s16], $0x2780  }
0x45: {  	_ =	swait.ge @!p0 [sflag:s21], $0x2780  }
0x46: {  	[sflag:s21] =	ssyncset.done @!p0 $0x0  }
0x47: {  	[sflag:s21] =	ssyncadd.s32 @!p0 $0xFFFFD880  }
0x48: {  	_ =	sfence.sel $0x180000  }
0x49: {  	[bflag:$0x0] =	sbarrier.arrive $0xFFFF  }
0x4a: {  	p0 =	sne.s32 s2, $0x0;
	_ =	strace $0x90000050  }
0x4b: {  	s0 =	sadd.s32 @!p0 $0x100000, s0;
	[bflag:$0x2] =	sbarrier.arrive $0xFFFF  }
0x4c: {  	[sflag:s0] =	ssyncadd.tile.s32 @!p0 $0x1;
	_ =	shalt  }
.Lfunc_end2:
_tile_overlayer_lowered:
.L_overlay_start_2:
0x4d: {  	(tag) =	ssettag $0x2  }
0x4e: {  	s0 =	rddreg [dreg:$0x0];
	s2 =	stileid.u32  }
0x4f: {  	s1 =	rddreg [dreg:$0x1];
	p0 =	sne.s32 s2, $0x0  }
0x50: {  	s3 =	rddreg [dreg:$0x2];
	[bflag:$0x3] =	sbarrier.arrive $0xFFFF;
	s2 =	simm.s32 @!p0 $0x1C02  }
0x51: {  	[timem:s3], [sflag:s2] =	dma.local @!p0 [hbm:s0], s1  }
0x52: {  	s0 =	simm.s32 @!p0 $0x2  }
0x53: {  	_ =	swait.ge @!p0 [sflag:s0], s1  }
0x54: {  	s1 =	ssub.s32 @!p0 $0x0, s1;
	[sflag:s0] =	ssyncset.done @!p0 $0x0  }
0x55: {  	[sflag:s0] =	ssyncadd.s32 @!p0 s1  }
0x56: {  	[bflag:$0x3] =	sbarrier.arrive $0xFFFF  }
0x57: {  	_ =	shalt  }

</sc_bundles>
